<compile_context>
chip_gen: v7x
topology: tpu7x:2x2x1
jax: 0.10.2.dev20260603
libtpu: 0.0.44.dev20260713+nightly
codegen_flags: <defaults>
</compile_context>

<pallas_src>
import functools

import jax
import jax.numpy as jnp
from jax import lax
from jax.experimental import pallas as pl
from jax.experimental.pallas import tpu as pltpu
from jax.experimental.pallas import tpu_sc as plsc

DT = 15
B, H, W = 4, 512, 512

_NC, _NS = 2, 16
_NW = _NC * _NS
_ROWS = 64
_SLABS_PER_PLANE = H // _ROWS
_PLANES = B * DT
_SLABS = _PLANES * _SLABS_PER_PLANE
_PER_W = _SLABS // _NW


def _body(x_ref, y_ref, m_ref, o_ref, z0_ref):
    d = y_ref[...] - x_ref[...]
    o_ref[...] = jnp.where(m_ref[...] != 0, d, 0.0)
    z0_ref[...] = jnp.zeros_like(z0_ref)


_sc_mesh = plsc.VectorSubcoreMesh(core_axis_name="c", subcore_axis_name="s")


@functools.partial(
    pl.kernel,
    mesh=_sc_mesh,
    out_type=jax.ShapeDtypeStruct((B, DT, H, W), jnp.float32),
    scratch_types=[
        pltpu.VMEM((_ROWS, W), jnp.float32),
        pltpu.SemaphoreType.DMA,
    ],
)
def _sc_zeros(z1_hbm, buf, sem):
    wid = lax.axis_index("s") * _NC + lax.axis_index("c")

    zv = jnp.zeros((16,), jnp.float32)

    def _fill(r, _):
        for j in range(W // 16):
            buf[r, pl.ds(j * 16, 16)] = zv
        return 0

    lax.fori_loop(0, _ROWS, _fill, 0)

    copies = []
    for k in range(_PER_W):
        s = wid * _PER_W + k
        b = s // (DT * _SLABS_PER_PLANE)
        t = (s // _SLABS_PER_PLANE) % DT
        r0 = (s % _SLABS_PER_PLANE) * _ROWS
        copies.append(
            pltpu.async_copy(buf, z1_hbm.at[b, t, pl.ds(r0, _ROWS)], sem)
        )
    for c in copies:
        c.wait()


def kernel(x, ylr, msk_lr):
    z1 = _sc_zeros()
    m8 = msk_lr.astype(jnp.int8)
    bt = 3
    grid = (B, DT // bt)
    spec = pl.BlockSpec((1, bt, H, W), lambda b, t: (b, t, 0, 0))
    oshape = jax.ShapeDtypeStruct((B, DT, H, W), jnp.float32)
    out, z0 = pl.pallas_call(
        _body,
        grid=grid,
        in_specs=[spec, spec, spec],
        out_specs=[spec, spec],
        out_shape=[oshape, oshape],
        compiler_params=pltpu.CompilerParams(
            dimension_semantics=("arbitrary", "arbitrary"),
            allow_input_fusion=(False, False, True),
        ),
    )(x, ylr, m8)
    return out, z0, z1

# --- scband reference (transcript-rebuilt; emitter-appended) ---
"""Pipeline reference for scband-model-obs-mixed-geometry-5626407158126 (READ-ONLY COPY).

The authoritative reference and input builder live on the scoring server;
editing this copy changes nothing except your own understanding.
"""

import jax, jax.numpy as jnp
import numpy as np

DT = 15
B, H, W = 4, 512, 512

def setup_inputs(seed: int = 0) -> dict:
    key = jax.random.key(seed)
    k1, k2, k3 = jax.random.split(key, 3)
    x = jax.random.normal(k1, (B, 2 * DT, H, W), dtype=jnp.float32)
    ylr = jax.random.normal(k2, (B, DT, H, W), dtype=jnp.float32)
    msk_lr = jax.random.randint(k3, (B, DT, H, W), 0, 2).astype(jnp.bool_)
    return {"x": x, "ylr": ylr, "msk_lr": msk_lr}

def reference(x, ylr, msk_lr):
    # torch.split(x, dT, dim=1) -> xlr, anom_obs, *_
    xlr = x[:, :DT]
    anom_obs = x[:, DT:2 * DT]
    # y = (ylr, (_, gc, sv, sc, nv, nc)) with sv=None, nv=None (no swath/nadir obs)
    # msk = (msk_lr, _)
    dyoutlr = (ylr - xlr) * msk_lr.astype(xlr.dtype)
    # sv is None -> dyout = zeros_like(xlr); nv is None -> dyout1 = zeros_like(xlr)
    dyout = jnp.zeros_like(xlr)
    dyout1 = jnp.zeros_like(xlr)
    return (dyoutlr, dyout, dyout1)

if __name__ == "__main__":
    import jax
    _d = setup_inputs()
    print(jax.jit(kernel)(*tuple(_d.values())))

</pallas_src>

<mosaic_0001>
#map = affine_map<(d0, d1) -> (0, 0, 0, 0)>
module attributes {stable_mosaic.version = 14 : i64} {
  func.func @_sc_zeros(%arg0: i32, %arg1: i32, %arg2: memref<4x15x512x512xf32, #tpu.memory_space<hbm>>, %arg3: memref<64x512xf32, #tpu.memory_space<vmem>>, %arg4: memref<!tpu.dma_semaphore, #tpu.memory_space<semaphore_mem>>) attributes {dimension_semantics = [#tpu.dimension_semantics<core_parallel>, #tpu.dimension_semantics<subcore_parallel>], iteration_bounds = array<i64: 2, 16>, scalar_prefetch = 0 : i64, scratch_operands = 2 : i64, tpu.core_type = #tpu.core_type<sc_vector_subcore>, window_params = [{transform_indices = #map}]} {
    %mul3A = arith.constant 2 : i32
    %mul3A_0 = arith.muli %arg1, %mul3A : i32
    %add3A = arith.addi %mul3A_0, %arg0 : i32
    %broadcast_in_dim3A = arith.constant 0.000000e+00 : f32
    %broadcast_in_dim3A_1 = vector.broadcast %broadcast_in_dim3A : f32 to vector<16xf32>
    %scan3A = arith.constant 0 : i32
    %scan3A_2 = arith.constant 0 : i32
    %scan3A_3 = arith.constant 64 : i32
    %scan3A_4 = arith.addi %scan3A_2, %scan3A_3 : i32
    %scan3A_5 = arith.constant 1 : i32
    %scan3A_6 = scf.for %scan3A_1466 = %scan3A_2 to %scan3A_4 step %scan3A_5 iter_args(%scan3A_1467 = %scan3A) -> (i32)  : i32 {
      %swap3A = arith.index_cast %scan3A_1466 : i32 to index
      %swap3A_1468 = arith.constant 0 : index
      %swap3A_1469 = tpu.vector_load %arg3[%swap3A, %swap3A_1468] {strides = array<i32>} : memref<64x512xf32, #tpu.memory_space<vmem>>, vector<1x16xf32>,
      %swap3A_1470 = vector.shape_cast %swap3A_1469 : vector<1x16xf32> to vector<16xf32>
      %swap3A_1471 = vector.shape_cast %broadcast_in_dim3A_1 : vector<16xf32> to vector<1x16xf32>
      tpu.vector_store %arg3[%swap3A, %swap3A_1468], %swap3A_1471 {strides = array<i32>} : memref<64x512xf32, #tpu.memory_space<vmem>>, vector<1x16xf32>,
      %swap3A_1472 = arith.index_cast %scan3A_1466 : i32 to index
      %swap3A_1473 = arith.constant 16 : index
      %swap3A_1474 = tpu.vector_load %arg3[%swap3A_1472, %swap3A_1473] {strides = array<i32>} : memref<64x512xf32, #tpu.memory_space<vmem>>, vector<1x16xf32>,
      %swap3A_1475 = vector.shape_cast %swap3A_1474 : vector<1x16xf32> to vector<16xf32>
      %swap3A_1476 = vector.shape_cast %broadcast_in_dim3A_1 : vector<16xf32> to vector<1x16xf32>
      tpu.vector_store %arg3[%swap3A_1472, %swap3A_1473], %swap3A_1476 {strides = array<i32>} : memref<64x512xf32, #tpu.memory_space<vmem>>, vector<1x16xf32>,
      %swap3A_1477 = arith.index_cast %scan3A_1466 : i32 to index
      %swap3A_1478 = arith.constant 32 : index
      %swap3A_1479 = tpu.vector_load %arg3[%swap3A_1477, %swap3A_1478] {strides = array<i32>} : memref<64x512xf32, #tpu.memory_space<vmem>>, vector<1x16xf32>,
      %swap3A_1480 = vector.shape_cast %swap3A_1479 : vector<1x16xf32> to vector<16xf32>
      %swap3A_1481 = vector.shape_cast %broadcast_in_dim3A_1 : vector<16xf32> to vector<1x16xf32>
      tpu.vector_store %arg3[%swap3A_1477, %swap3A_1478], %swap3A_1481 {strides = array<i32>} : memref<64x512xf32, #tpu.memory_space<vmem>>, vector<1x16xf32>,
      %swap3A_1482 = arith.index_cast %scan3A_1466 : i32 to index
      %swap3A_1483 = arith.constant 48 : index
      %swap3A_1484 = tpu.vector_load %arg3[%swap3A_1482, %swap3A_1483] {strides = array<i32>} : memref<64x512xf32, #tpu.memory_space<vmem>>, vector<1x16xf32>,
      %swap3A_1485 = vector.shape_cast %swap3A_1484 : vector<1x16xf32> to vector<16xf32>
      %swap3A_1486 = vector.shape_cast %broadcast_in_dim3A_1 : vector<16xf32> to vector<1x16xf32>
      tpu.vector_store %arg3[%swap3A_1482, %swap3A_1483], %swap3A_1486 {strides = array<i32>} : memref<64x512xf32, #tpu.memory_space<vmem>>, vector<1x16xf32>,
      %swap3A_1487 = arith.index_cast %scan3A_1466 : i32 to index
      %swap3A_1488 = arith.constant 64 : index
      %swap3A_1489 = tpu.vector_load %arg3[%swap3A_1487, %swap3A_1488] {strides = array<i32>} : memref<64x512xf32, #tpu.memory_space<vmem>>, vector<1x16xf32>,
      %swap3A_1490 = vector.shape_cast %swap3A_1489 : vector<1x16xf32> to vector<16xf32>
      %swap3A_1491 = vector.shape_cast %broadcast_in_dim3A_1 : vector<16xf32> to vector<1x16xf32>
      tpu.vector_store %arg3[%swap3A_1487, %swap3A_1488], %swap3A_1491 {strides = array<i32>} : memref<64x512xf32, #tpu.memory_space<vmem>>, vector<1x16xf32>,
      %swap3A_1492 = arith.index_cast %scan3A_1466 : i32 to index
      %swap3A_1493 = arith.constant 80 : index
      %swap3A_1494 = tpu.vector_load %arg3[%swap3A_1492, %swap3A_1493] {strides = array<i32>} : memref<64x512xf32, #tpu.memory_space<vmem>>, vector<1x16xf32>,
      %swap3A_1495 = vector.shape_cast %swap3A_1494 : vector<1x16xf32> to vector<16xf32>
      %swap3A_1496 = vector.shape_cast %broadcast_in_dim3A_1 : vector<16xf32> to vector<1x16xf32>
      tpu.vector_store %arg3[%swap3A_1492, %swap3A_1493], %swap3A_1496 {strides = array<i32>} : memref<64x512xf32, #tpu.memory_space<vmem>>, vector<1x16xf32>,
      %swap3A_1497 = arith.index_cast %scan3A_1466 : i32 to index
      %swap3A_1498 = arith.constant 96 : index
      %swap3A_1499 = tpu.vector_load %arg3[%swap3A_1497, %swap3A_1498] {strides = array<i32>} : memref<64x512xf32, #tpu.memory_space<vmem>>, vector<1x16xf32>,
      %swap3A_1500 = vector.shape_cast %swap3A_1499 : vector<1x16xf32> to vector<16xf32>
      %swap3A_1501 = vector.shape_cast %broadcast_in_dim3A_1 : vector<16xf32> to vector<1x16xf32>
      tpu.vector_store %arg3[%swap3A_1497, %swap3A_1498], %swap3A_1501 {strides = array<i32>} : memref<64x512xf32, #tpu.memory_space<vmem>>, vector<1x16xf32>,
      %swap3A_1502 = arith.index_cast %scan3A_1466 : i32 to index
      %swap3A_1503 = arith.constant 112 : index
      %swap3A_1504 = tpu.vector_load %arg3[%swap3A_1502, %swap3A_1503] {strides = array<i32>} : memref<64x512xf32, #tpu.memory_space<vmem>>, vector<1x16xf32>,
      %swap3A_1505 = vector.shape_cast %swap3A_1504 : vector<1x16xf32> to vector<16xf32>
      %swap3A_1506 = vector.shape_cast %broadcast_in_dim3A_1 : vector<16xf32> to vector<1x16xf32>
      tpu.vector_store %arg3[%swap3A_1502, %swap3A_1503], %swap3A_1506 {strides = array<i32>} : memref<64x512xf32, #tpu.memory_space<vmem>>, vector<1x16xf32>,
      %swap3A_1507 = arith.index_cast %scan3A_1466 : i32 to index
      %swap3A_1508 = arith.constant 128 : index
      %swap3A_1509 = tpu.vector_load %arg3[%swap3A_1507, %swap3A_1508] {strides = array<i32>} : memref<64x512xf32, #tpu.memory_space<vmem>>, vector<1x16xf32>,
      %swap3A_1510 = vector.shape_cast %swap3A_1509 : vector<1x16xf32> to vector<16xf32>
      %swap3A_1511 = vector.shape_cast %broadcast_in_dim3A_1 : vector<16xf32> to vector<1x16xf32>
      tpu.vector_store %arg3[%swap3A_1507, %swap3A_1508], %swap3A_1511 {strides = array<i32>} : memref<64x512xf32, #tpu.memory_space<vmem>>, vector<1x16xf32>,
      %swap3A_1512 = arith.index_cast %scan3A_1466 : i32 to index
      %swap3A_1513 = arith.constant 144 : index
      %swap3A_1514 = tpu.vector_load %arg3[%swap3A_1512, %swap3A_1513] {strides = array<i32>} : memref<64x512xf32, #tpu.memory_space<vmem>>, vector<1x16xf32>,
      %swap3A_1515 = vector.shape_cast %swap3A_1514 : vector<1x16xf32> to vector<16xf32>
      %swap3A_1516 = vector.shape_cast %broadcast_in_dim3A_1 : vector<16xf32> to vector<1x16xf32>
      tpu.vector_store %arg3[%swap3A_1512, %swap3A_1513], %swap3A_1516 {strides = array<i32>} : memref<64x512xf32, #tpu.memory_space<vmem>>, vector<1x16xf32>,
      %swap3A_1517 = arith.index_cast %scan3A_1466 : i32 to index
      %swap3A_1518 = arith.constant 160 : index
      %swap3A_1519 = tpu.vector_load %arg3[%swap3A_1517, %swap3A_1518] {strides = array<i32>} : memref<64x512xf32, #tpu.memory_space<vmem>>, vector<1x16xf32>,
      %swap3A_1520 = vector.shape_cast %swap3A_1519 : vector<1x16xf32> to vector<16xf32>
      %swap3A_1521 = vector.shape_cast %broadcast_in_dim3A_1 : vector<16xf32> to vector<1x16xf32>
      tpu.vector_store %arg3[%swap3A_1517, %swap3A_1518], %swap3A_1521 {strides = array<i32>} : memref<64x512xf32, #tpu.memory_space<vmem>>, vector<1x16xf32>,
      %swap3A_1522 = arith.index_cast %scan3A_1466 : i32 to index
      %swap3A_1523 = arith.constant 176 : index
      %swap3A_1524 = tpu.vector_load %arg3[%swap3A_1522, %swap3A_1523] {strides = array<i32>} : memref<64x512xf32, #tpu.memory_space<vmem>>, vector<1x16xf32>,
      %swap3A_1525 = vector.shape_cast %swap3A_1524 : vector<1x16xf32> to vector<16xf32>
      %swap3A_1526 = vector.shape_cast %broadcast_in_dim3A_1 : vector<16xf32> to vector<1x16xf32>
      tpu.vector_store %arg3[%swap3A_1522, %swap3A_1523], %swap3A_1526 {strides = array<i32>} : memref<64x512xf32, #tpu.memory_space<vmem>>, vector<1x16xf32>,
      %swap3A_1527 = arith.index_cast %scan3A_1466 : i32 to index
      %swap3A_1528 = arith.constant 192 : index
      %swap3A_1529 = tpu.vector_load %arg3[%swap3A_1527, %swap3A_1528] {strides = array<i32>} : memref<64x512xf32, #tpu.memory_space<vmem>>, vector<1x16xf32>,
      %swap3A_1530 = vector.shape_cast %swap3A_1529 : vector<1x16xf32> to vector<16xf32>
      %swap3A_1531 = vector.shape_cast %broadcast_in_dim3A_1 : vector<16xf32> to vector<1x16xf32>
      tpu.vector_store %arg3[%swap3A_1527, %swap3A_1528], %swap3A_1531 {strides = array<i32>} : memref<64x512xf32, #tpu.memory_space<vmem>>, vector<1x16xf32>,
      %swap3A_1532 = arith.index_cast %scan3A_1466 : i32 to index
      %swap3A_1533 = arith.constant 208 : index
      %swap3A_1534 = tpu.vector_load %arg3[%swap3A_1532, %swap3A_1533] {strides = array<i32>} : memref<64x512xf32, #tpu.memory_space<vmem>>, vector<1x16xf32>,
      %swap3A_1535 = vector.shape_cast %swap3A_1534 : vector<1x16xf32> to vector<16xf32>
      %swap3A_1536 = vector.shape_cast %broadcast_in_dim3A_1 : vector<16xf32> to vector<1x16xf32>
      tpu.vector_store %arg3[%swap3A_1532, %swap3A_1533], %swap3A_1536 {strides = array<i32>} : memref<64x512xf32, #tpu.memory_space<vmem>>, vector<1x16xf32>,
      %swap3A_1537 = arith.index_cast %scan3A_1466 : i32 to index
      %swap3A_1538 = arith.constant 224 : index
      %swap3A_1539 = tpu.vector_load %arg3[%swap3A_1537, %swap3A_1538] {strides = array<i32>} : memref<64x512xf32, #tpu.memory_space<vmem>>, vector<1x16xf32>,
      %swap3A_1540 = vector.shape_cast %swap3A_1539 : vector<1x16xf32> to vector<16xf32>
      %swap3A_1541 = vector.shape_cast %broadcast_in_dim3A_1 : vector<16xf32> to vector<1x16xf32>
      tpu.vector_store %arg3[%swap3A_1537, %swap3A_1538], %swap3A_1541 {strides = array<i32>} : memref<64x512xf32, #tpu.memory_space<vmem>>, vector<1x16xf32>,
      %swap3A_1542 = arith.index_cast %scan3A_1466 : i32 to index
      %swap3A_1543 = arith.constant 240 : index
      %swap3A_1544 = tpu.vector_load %arg3[%swap3A_1542, %swap3A_1543] {strides = array<i32>} : memref<64x512xf32, #tpu.memory_space<vmem>>, vector<1x16xf32>,
      %swap3A_1545 = vector.shape_cast %swap3A_1544 : vector<1x16xf32> to vector<16xf32>
      %swap3A_1546 = vector.shape_cast %broadcast_in_dim3A_1 : vector<16xf32> to vector<1x16xf32>
      tpu.vector_store %arg3[%swap3A_1542, %swap3A_1543], %swap3A_1546 {strides = array<i32>} : memref<64x512xf32, #tpu.memory_space<vmem>>, vector<1x16xf32>,
      %swap3A_1547 = arith.index_cast %scan3A_1466 : i32 to index
      %swap3A_1548 = arith.constant 256 : index
      %swap3A_1549 = tpu.vector_load %arg3[%swap3A_1547, %swap3A_1548] {strides = array<i32>} : memref<64x512xf32, #tpu.memory_space<vmem>>, vector<1x16xf32>,
      %swap3A_1550 = vector.shape_cast %swap3A_1549 : vector<1x16xf32> to vector<16xf32>
      %swap3A_1551 = vector.shape_cast %broadcast_in_dim3A_1 : vector<16xf32> to vector<1x16xf32>
      tpu.vector_store %arg3[%swap3A_1547, %swap3A_1548], %swap3A_1551 {strides = array<i32>} : memref<64x512xf32, #tpu.memory_space<vmem>>, vector<1x16xf32>,
      %swap3A_1552 = arith.index_cast %scan3A_1466 : i32 to index
      %swap3A_1553 = arith.constant 272 : index
      %swap3A_1554 = tpu.vector_load %arg3[%swap3A_1552, %swap3A_1553] {strides = array<i32>} : memref<64x512xf32, #tpu.memory_space<vmem>>, vector<1x16xf32>,
      %swap3A_1555 = vector.shape_cast %swap3A_1554 : vector<1x16xf32> to vector<16xf32>
      %swap3A_1556 = vector.shape_cast %broadcast_in_dim3A_1 : vector<16xf32> to vector<1x16xf32>
      tpu.vector_store %arg3[%swap3A_1552, %swap3A_1553], %swap3A_1556 {strides = array<i32>} : memref<64x512xf32, #tpu.memory_space<vmem>>, vector<1x16xf32>,
      %swap3A_1557 = arith.index_cast %scan3A_1466 : i32 to index
      %swap3A_1558 = arith.constant 288 : index
      %swap3A_1559 = tpu.vector_load %arg3[%swap3A_1557, %swap3A_1558] {strides = array<i32>} : memref<64x512xf32, #tpu.memory_space<vmem>>, vector<1x16xf32>,
      %swap3A_1560 = vector.shape_cast %swap3A_1559 : vector<1x16xf32> to vector<16xf32>
      %swap3A_1561 = vector.shape_cast %broadcast_in_dim3A_1 : vector<16xf32> to vector<1x16xf32>
      tpu.vector_store %arg3[%swap3A_1557, %swap3A_1558], %swap3A_1561 {strides = array<i32>} : memref<64x512xf32, #tpu.memory_space<vmem>>, vector<1x16xf32>,
      %swap3A_1562 = arith.index_cast %scan3A_1466 : i32 to index
      %swap3A_1563 = arith.constant 304 : index
      %swap3A_1564 = tpu.vector_load %arg3[%swap3A_1562, %swap3A_1563] {strides = array<i32>} : memref<64x512xf32, #tpu.memory_space<vmem>>, vector<1x16xf32>,
      %swap3A_1565 = vector.shape_cast %swap3A_1564 : vector<1x16xf32> to vector<16xf32>
      %swap3A_1566 = vector.shape_cast %broadcast_in_dim3A_1 : vector<16xf32> to vector<1x16xf32>
      tpu.vector_store %arg3[%swap3A_1562, %swap3A_1563], %swap3A_1566 {strides = array<i32>} : memref<64x512xf32, #tpu.memory_space<vmem>>, vector<1x16xf32>,
      %swap3A_1567 = arith.index_cast %scan3A_1466 : i32 to index
      %swap3A_1568 = arith.constant 320 : index
      %swap3A_1569 = tpu.vector_load %arg3[%swap3A_1567, %swap3A_1568] {strides = array<i32>} : memref<64x512xf32, #tpu.memory_space<vmem>>, vector<1x16xf32>,
      %swap3A_1570 = vector.shape_cast %swap3A_1569 : vector<1x16xf32> to vector<16xf32>
      %swap3A_1571 = vector.shape_cast %broadcast_in_dim3A_1 : vector<16xf32> to vector<1x16xf32>
      tpu.vector_store %arg3[%swap3A_1567, %swap3A_1568], %swap3A_1571 {strides = array<i32>} : memref<64x512xf32, #tpu.memory_space<vmem>>, vector<1x16xf32>,
      %swap3A_1572 = arith.index_cast %scan3A_1466 : i32 to index
      %swap3A_1573 = arith.constant 336 : index
      %swap3A_1574 = tpu.vector_load %arg3[%swap3A_1572, %swap3A_1573] {strides = array<i32>} : memref<64x512xf32, #tpu.memory_space<vmem>>, vector<1x16xf32>,
      %swap3A_1575 = vector.shape_cast %swap3A_1574 : vector<1x16xf32> to vector<16xf32>
      %swap3A_1576 = vector.shape_cast %broadcast_in_dim3A_1 : vector<16xf32> to vector<1x16xf32>
      tpu.vector_store %arg3[%swap3A_1572, %swap3A_1573], %swap3A_1576 {strides = array<i32>} : memref<64x512xf32, #tpu.memory_space<vmem>>, vector<1x16xf32>,
      %swap3A_1577 = arith.index_cast %scan3A_1466 : i32 to index
      %swap3A_1578 = arith.constant 352 : index
      %swap3A_1579 = tpu.vector_load %arg3[%swap3A_1577, %swap3A_1578] {strides = array<i32>} : memref<64x512xf32, #tpu.memory_space<vmem>>, vector<1x16xf32>,
      %swap3A_1580 = vector.shape_cast %swap3A_1579 : vector<1x16xf32> to vector<16xf32>
      %swap3A_1581 = vector.shape_cast %broadcast_in_dim3A_1 : vector<16xf32> to vector<1x16xf32>
      tpu.vector_store %arg3[%swap3A_1577, %swap3A_1578], %swap3A_1581 {strides = array<i32>} : memref<64x512xf32, #tpu.memory_space<vmem>>, vector<1x16xf32>,
      %swap3A_1582 = arith.index_cast %scan3A_1466 : i32 to index
      %swap3A_1583 = arith.constant 368 : index
      %swap3A_1584 = tpu.vector_load %arg3[%swap3A_1582, %swap3A_1583] {strides = array<i32>} : memref<64x512xf32, #tpu.memory_space<vmem>>, vector<1x16xf32>,
      %swap3A_1585 = vector.shape_cast %swap3A_1584 : vector<1x16xf32> to vector<16xf32>
      %swap3A_1586 = vector.shape_cast %broadcast_in_dim3A_1 : vector<16xf32> to vector<1x16xf32>
      tpu.vector_store %arg3[%swap3A_1582, %swap3A_1583], %swap3A_1586 {strides = array<i32>} : memref<64x512xf32, #tpu.memory_space<vmem>>, vector<1x16xf32>,
      %swap3A_1587 = arith.index_cast %scan3A_1466 : i32 to index
      %swap3A_1588 = arith.constant 384 : index
      %swap3A_1589 = tpu.vector_load %arg3[%swap3A_1587, %swap3A_1588] {strides = array<i32>} : memref<64x512xf32, #tpu.memory_space<vmem>>, vector<1x16xf32>,
      %swap3A_1590 = vector.shape_cast %swap3A_1589 : vector<1x16xf32> to vector<16xf32>
      %swap3A_1591 = vector.shape_cast %broadcast_in_dim3A_1 : vector<16xf32> to vector<1x16xf32>
      tpu.vector_store %arg3[%swap3A_1587, %swap3A_1588], %swap3A_1591 {strides = array<i32>} : memref<64x512xf32, #tpu.memory_space<vmem>>, vector<1x16xf32>,
      %swap3A_1592 = arith.index_cast %scan3A_1466 : i32 to index
      %swap3A_1593 = arith.constant 400 : index
      %swap3A_1594 = tpu.vector_load %arg3[%swap3A_1592, %swap3A_1593] {strides = array<i32>} : memref<64x512xf32, #tpu.memory_space<vmem>>, vector<1x16xf32>,
      %swap3A_1595 = vector.shape_cast %swap3A_1594 : vector<1x16xf32> to vector<16xf32>
      %swap3A_1596 = vector.shape_cast %broadcast_in_dim3A_1 : vector<16xf32> to vector<1x16xf32>
      tpu.vector_store %arg3[%swap3A_1592, %swap3A_1593], %swap3A_1596 {strides = array<i32>} : memref<64x512xf32, #tpu.memory_space<vmem>>, vector<1x16xf32>,
      %swap3A_1597 = arith.index_cast %scan3A_1466 : i32 to index
      %swap3A_1598 = arith.constant 416 : index
      %swap3A_1599 = tpu.vector_load %arg3[%swap3A_1597, %swap3A_1598] {strides = array<i32>} : memref<64x512xf32, #tpu.memory_space<vmem>>, vector<1x16xf32>,
      %swap3A_1600 = vector.shape_cast %swap3A_1599 : vector<1x16xf32> to vector<16xf32>
      %swap3A_1601 = vector.shape_cast %broadcast_in_dim3A_1 : vector<16xf32> to vector<1x16xf32>
      tpu.vector_store %arg3[%swap3A_1597, %swap3A_1598], %swap3A_1601 {strides = array<i32>} : memref<64x512xf32, #tpu.memory_space<vmem>>, vector<1x16xf32>,
      %swap3A_1602 = arith.index_cast %scan3A_1466 : i32 to index
      %swap3A_1603 = arith.constant 432 : index
      %swap3A_1604 = tpu.vector_load %arg3[%swap3A_1602, %swap3A_1603] {strides = array<i32>} : memref<64x512xf32, #tpu.memory_space<vmem>>, vector<1x16xf32>,
      %swap3A_1605 = vector.shape_cast %swap3A_1604 : vector<1x16xf32> to vector<16xf32>
      %swap3A_1606 = vector.shape_cast %broadcast_in_dim3A_1 : vector<16xf32> to vector<1x16xf32>
      tpu.vector_store %arg3[%swap3A_1602, %swap3A_1603], %swap3A_1606 {strides = array<i32>} : memref<64x512xf32, #tpu.memory_space<vmem>>, vector<1x16xf32>,
      %swap3A_1607 = arith.index_cast %scan3A_1466 : i32 to index
      %swap3A_1608 = arith.constant 448 : index
      %swap3A_1609 = tpu.vector_load %arg3[%swap3A_1607, %swap3A_1608] {strides = array<i32>} : memref<64x512xf32, #tpu.memory_space<vmem>>, vector<1x16xf32>,
      %swap3A_1610 = vector.shape_cast %swap3A_1609 : vector<1x16xf32> to vector<16xf32>
      %swap3A_1611 = vector.shape_cast %broadcast_in_dim3A_1 : vector<16xf32> to vector<1x16xf32>
      tpu.vector_store %arg3[%swap3A_1607, %swap3A_1608], %swap3A_1611 {strides = array<i32>} : memref<64x512xf32, #tpu.memory_space<vmem>>, vector<1x16xf32>,
      %swap3A_1612 = arith.index_cast %scan3A_1466 : i32 to index
      %swap3A_1613 = arith.constant 464 : index
      %swap3A_1614 = tpu.vector_load %arg3[%swap3A_1612, %swap3A_1613] {strides = array<i32>} : memref<64x512xf32, #tpu.memory_space<vmem>>, vector<1x16xf32>,
      %swap3A_1615 = vector.shape_cast %swap3A_1614 : vector<1x16xf32> to vector<16xf32>
      %swap3A_1616 = vector.shape_cast %broadcast_in_dim3A_1 : vector<16xf32> to vector<1x16xf32>
      tpu.vector_store %arg3[%swap3A_1612, %swap3A_1613], %swap3A_1616 {strides = array<i32>} : memref<64x512xf32, #tpu.memory_space<vmem>>, vector<1x16xf32>,
      %swap3A_1617 = arith.index_cast %scan3A_1466 : i32 to index
      %swap3A_1618 = arith.constant 480 : index
      %swap3A_1619 = tpu.vector_load %arg3[%swap3A_1617, %swap3A_1618] {strides = array<i32>} : memref<64x512xf32, #tpu.memory_space<vmem>>, vector<1x16xf32>,
      %swap3A_1620 = vector.shape_cast %swap3A_1619 : vector<1x16xf32> to vector<16xf32>
      %swap3A_1621 = vector.shape_cast %broadcast_in_dim3A_1 : vector<16xf32> to vector<1x16xf32>
      tpu.vector_store %arg3[%swap3A_1617, %swap3A_1618], %swap3A_1621 {strides = array<i32>} : memref<64x512xf32, #tpu.memory_space<vmem>>, vector<1x16xf32>,
      %swap3A_1622 = arith.index_cast %scan3A_1466 : i32 to index
      %swap3A_1623 = arith.constant 496 : index
      %swap3A_1624 = tpu.vector_load %arg3[%swap3A_1622, %swap3A_1623] {strides = array<i32>} : memref<64x512xf32, #tpu.memory_space<vmem>>, vector<1x16xf32>,
      %swap3A_1625 = vector.shape_cast %swap3A_1624 : vector<1x16xf32> to vector<16xf32>
      %swap3A_1626 = vector.shape_cast %broadcast_in_dim3A_1 : vector<16xf32> to vector<1x16xf32>
      tpu.vector_store %arg3[%swap3A_1622, %swap3A_1623], %swap3A_1626 {strides = array<i32>} : memref<64x512xf32, #tpu.memory_space<vmem>>, vector<1x16xf32>,
      %scan3A_1627 = arith.constant 0 : i32
      scf.yield %scan3A_1627 : i32
    }
    %scan3A_7 = arith.constant 64 : i32
    %mul3A_8 = arith.constant 15 : i32
    %mul3A_9 = arith.muli %add3A, %mul3A_8 : i32
    %add3A_10 = arith.constant 0 : i32
    %add3A_11 = arith.addi %mul3A_9, %add3A_10 : i32
    %jit3A = arith.constant 120 : i32
    %div3A = arith.divsi %add3A_11, %jit3A : i32
    %sign3A = arith.constant 0 : i32
    %sign3A_12 = arith.cmpi sgt, %add3A_11, %sign3A : i32
    %sign3A_13 = arith.extui %sign3A_12 : i1 to i32
    %sign3A_14 = arith.constant 0 : i32
    %sign3A_15 = arith.cmpi slt, %add3A_11, %sign3A_14 : i32
    %sign3A_16 = arith.extui %sign3A_15 : i1 to i32
    %sign3A_17 = arith.subi %sign3A_13, %sign3A_16 : i32
    %sign3A_18 = arith.constant 0 : i32
    %sign3A_19 = arith.cmpi sgt, %jit3A, %sign3A_18 : i32
    %sign3A_20 = arith.extui %sign3A_19 : i1 to i32
    %sign3A_21 = arith.constant 0 : i32
    %sign3A_22 = arith.cmpi slt, %jit3A, %sign3A_21 : i32
    %sign3A_23 = arith.extui %sign3A_22 : i1 to i32
    %sign3A_24 = arith.subi %sign3A_20, %sign3A_23 : i32
    %ne3A = arith.cmpi ne, %sign3A_17, %sign3A_24 : i32
    %rem3A = arith.remsi %add3A_11, %jit3A : i32
    %ne3A_25 = arith.constant 0 : i32
    %ne3A_26 = arith.cmpi ne, %rem3A, %ne3A_25 : i32
    %and3A = arith.andi %ne3A, %ne3A_26 : i1
    %sub3A = arith.constant 1 : i32
    %sub3A_27 = arith.subi %div3A, %sub3A : i32
    %select_n3A = arith.select %and3A, %sub3A_27, %div3A : i32
    %jit3A_28 = arith.constant 8 : i32
    %div3A_29 = arith.divsi %add3A_11, %jit3A_28 : i32
    %sign3A_30 = arith.constant 0 : i32
    %sign3A_31 = arith.cmpi sgt, %add3A_11, %sign3A_30 : i32
    %sign3A_32 = arith.extui %sign3A_31 : i1 to i32
    %sign3A_33 = arith.constant 0 : i32
    %sign3A_34 = arith.cmpi slt, %add3A_11, %sign3A_33 : i32
    %sign3A_35 = arith.extui %sign3A_34 : i1 to i32
    %sign3A_36 = arith.subi %sign3A_32, %sign3A_35 : i32
    %sign3A_37 = arith.constant 0 : i32
    %sign3A_38 = arith.cmpi sgt, %jit3A_28, %sign3A_37 : i32
    %sign3A_39 = arith.extui %sign3A_38 : i1 to i32
    %sign3A_40 = arith.constant 0 : i32
    %sign3A_41 = arith.cmpi slt, %jit3A_28, %sign3A_40 : i32
    %sign3A_42 = arith.extui %sign3A_41 : i1 to i32
    %sign3A_43 = arith.subi %sign3A_39, %sign3A_42 : i32
    %ne3A_44 = arith.cmpi ne, %sign3A_36, %sign3A_43 : i32
    %rem3A_45 = arith.remsi %add3A_11, %jit3A_28 : i32
    %ne3A_46 = arith.constant 0 : i32
    %ne3A_47 = arith.cmpi ne, %rem3A_45, %ne3A_46 : i32
    %and3A_48 = arith.andi %ne3A_44, %ne3A_47 : i1
    %sub3A_49 = arith.constant 1 : i32
    %sub3A_50 = arith.subi %div3A_29, %sub3A_49 : i32
    %select_n3A_51 = arith.select %and3A_48, %sub3A_50, %div3A_29 : i32
    %jit3A_52 = arith.constant 15 : i32
    %eq3A = arith.constant 0 : i32
    %eq3A_53 = arith.cmpi eq, %jit3A_52, %eq3A : i32
    %jit3A_54 = arith.constant 1 : i32
    %select_n3A_55 = arith.select %eq3A_53, %jit3A_54, %jit3A_52 : i32
    %rem3A_56 = arith.remsi %select_n3A_51, %select_n3A_55 : i32
    %ne3A_57 = arith.constant 0 : i32
    %ne3A_58 = arith.cmpi ne, %rem3A_56, %ne3A_57 : i32
    %lt3A = arith.constant 0 : i32
    %lt3A_59 = arith.cmpi slt, %rem3A_56, %lt3A : i32
    %lt3A_60 = arith.constant 0 : i32
    %lt3A_61 = arith.cmpi slt, %select_n3A_55, %lt3A_60 : i32
    %ne3A_62 = arith.xori %lt3A_59, %lt3A_61 : i1
    %and3A_63 = arith.andi %ne3A_62, %ne3A_58 : i1
    %add3A_64 = arith.addi %rem3A_56, %select_n3A_55 : i32
    %select_n3A_65 = arith.select %and3A_63, %add3A_64, %rem3A_56 : i32
    %jit3A_66 = arith.constant 8 : i32
    %eq3A_67 = arith.constant 0 : i32
    %eq3A_68 = arith.cmpi eq, %jit3A_66, %eq3A_67 : i32
    %jit3A_69 = arith.constant 1 : i32
    %select_n3A_70 = arith.select %eq3A_68, %jit3A_69, %jit3A_66 : i32
    %rem3A_71 = arith.remsi %add3A_11, %select_n3A_70 : i32
    %ne3A_72 = arith.constant 0 : i32
    %ne3A_73 = arith.cmpi ne, %rem3A_71, %ne3A_72 : i32
    %lt3A_74 = arith.constant 0 : i32
    %lt3A_75 = arith.cmpi slt, %rem3A_71, %lt3A_74 : i32
    %lt3A_76 = arith.constant 0 : i32
    %lt3A_77 = arith.cmpi slt, %select_n3A_70, %lt3A_76 : i32
    %ne3A_78 = arith.xori %lt3A_75, %lt3A_77 : i1
    %and3A_79 = arith.andi %ne3A_78, %ne3A_73 : i1
    %add3A_80 = arith.addi %rem3A_71, %select_n3A_70 : i32
    %select_n3A_81 = arith.select %and3A_79, %add3A_80, %rem3A_71 : i32
    %mul3A_82 = arith.constant 64 : i32
    %mul3A_83 = arith.muli %select_n3A_81, %mul3A_82 : i32
    %dma_start3A = arith.constant 0 : i32
    %dma_start3A_84 = tpu.memref_slice %arg2[%select_n3A, %select_n3A_65, %mul3A_83, %dma_start3A] : memref<4x15x512x512xf32, #tpu.memory_space<hbm>> -> memref<1x1x64x512xf32, #tpu.memory_space<hbm>>
    %dma_start3A_85 = tpu.memref_squeeze %dma_start3A_84 : memref<1x1x64x512xf32, #tpu.memory_space<hbm>> -> memref<64x512xf32, #tpu.memory_space<hbm>>
    %dma_start3A_86 = arith.constant 0 : i32
    %dma_start3A_87 = tpu.memref_slice %arg2[%select_n3A, %select_n3A_65, %mul3A_83, %dma_start3A_86] : memref<4x15x512x512xf32, #tpu.memory_space<hbm>> -> memref<1x1x64x512xf32, #tpu.memory_space<hbm>>
    %dma_start3A_88 = tpu.memref_squeeze %dma_start3A_87 : memref<1x1x64x512xf32, #tpu.memory_space<hbm>> -> memref<64x512xf32, #tpu.memory_space<hbm>>
    tpu.enqueue_dma source(%arg3 : memref<64x512xf32, #tpu.memory_space<vmem>>) target(%dma_start3A_88 : memref<64x512xf32, #tpu.memory_space<hbm>>) target_semaphore(%arg4 : memref<!tpu.dma_semaphore, #tpu.memory_space<semaphore_mem>>)
    %mul3A_89 = arith.constant 15 : i32
    %mul3A_90 = arith.muli %add3A, %mul3A_89 : i32
    %add3A_91 = arith.constant 1 : i32
    %add3A_92 = arith.addi %mul3A_90, %add3A_91 : i32
    %jit3A_93 = arith.constant 120 : i32
    %div3A_94 = arith.divsi %add3A_92, %jit3A_93 : i32
    %sign3A_95 = arith.constant 0 : i32
    %sign3A_96 = arith.cmpi sgt, %add3A_92, %sign3A_95 : i32
    %sign3A_97 = arith.extui %sign3A_96 : i1 to i32
    %sign3A_98 = arith.constant 0 : i32
    %sign3A_99 = arith.cmpi slt, %add3A_92, %sign3A_98 : i32
    %sign3A_100 = arith.extui %sign3A_99 : i1 to i32
    %sign3A_101 = arith.subi %sign3A_97, %sign3A_100 : i32
    %sign3A_102 = arith.constant 0 : i32
    %sign3A_103 = arith.cmpi sgt, %jit3A_93, %sign3A_102 : i32
    %sign3A_104 = arith.extui %sign3A_103 : i1 to i32
    %sign3A_105 = arith.constant 0 : i32
    %sign3A_106 = arith.cmpi slt, %jit3A_93, %sign3A_105 : i32
    %sign3A_107 = arith.extui %sign3A_106 : i1 to i32
    %sign3A_108 = arith.subi %sign3A_104, %sign3A_107 : i32
    %ne3A_109 = arith.cmpi ne, %sign3A_101, %sign3A_108 : i32
    %rem3A_110 = arith.remsi %add3A_92, %jit3A_93 : i32
    %ne3A_111 = arith.constant 0 : i32
    %ne3A_112 = arith.cmpi ne, %rem3A_110, %ne3A_111 : i32
    %and3A_113 = arith.andi %ne3A_109, %ne3A_112 : i1
    %sub3A_114 = arith.constant 1 : i32
    %sub3A_115 = arith.subi %div3A_94, %sub3A_114 : i32
    %select_n3A_116 = arith.select %and3A_113, %sub3A_115, %div3A_94 : i32
    %jit3A_117 = arith.constant 8 : i32
    %div3A_118 = arith.divsi %add3A_92, %jit3A_117 : i32
    %sign3A_119 = arith.constant 0 : i32
    %sign3A_120 = arith.cmpi sgt, %add3A_92, %sign3A_119 : i32
    %sign3A_121 = arith.extui %sign3A_120 : i1 to i32
    %sign3A_122 = arith.constant 0 : i32
    %sign3A_123 = arith.cmpi slt, %add3A_92, %sign3A_122 : i32
    %sign3A_124 = arith.extui %sign3A_123 : i1 to i32
    %sign3A_125 = arith.subi %sign3A_121, %sign3A_124 : i32
    %sign3A_126 = arith.constant 0 : i32
    %sign3A_127 = arith.cmpi sgt, %jit3A_117, %sign3A_126 : i32
    %sign3A_128 = arith.extui %sign3A_127 : i1 to i32
    %sign3A_129 = arith.constant 0 : i32
    %sign3A_130 = arith.cmpi slt, %jit3A_117, %sign3A_129 : i32
    %sign3A_131 = arith.extui %sign3A_130 : i1 to i32
    %sign3A_132 = arith.subi %sign3A_128, %sign3A_131 : i32
    %ne3A_133 = arith.cmpi ne, %sign3A_125, %sign3A_132 : i32
    %rem3A_134 = arith.remsi %add3A_92, %jit3A_117 : i32
    %ne3A_135 = arith.constant 0 : i32
    %ne3A_136 = arith.cmpi ne, %rem3A_134, %ne3A_135 : i32
    %and3A_137 = arith.andi %ne3A_133, %ne3A_136 : i1
    %sub3A_138 = arith.constant 1 : i32
    %sub3A_139 = arith.subi %div3A_118, %sub3A_138 : i32
    %select_n3A_140 = arith.select %and3A_137, %sub3A_139, %div3A_118 : i32
    %jit3A_141 = arith.constant 15 : i32
    %eq3A_142 = arith.constant 0 : i32
    %eq3A_143 = arith.cmpi eq, %jit3A_141, %eq3A_142 : i32
    %jit3A_144 = arith.constant 1 : i32
    %select_n3A_145 = arith.select %eq3A_143, %jit3A_144, %jit3A_141 : i32
    %rem3A_146 = arith.remsi %select_n3A_140, %select_n3A_145 : i32
    %ne3A_147 = arith.constant 0 : i32
    %ne3A_148 = arith.cmpi ne, %rem3A_146, %ne3A_147 : i32
    %lt3A_149 = arith.constant 0 : i32
    %lt3A_150 = arith.cmpi slt, %rem3A_146, %lt3A_149 : i32
    %lt3A_151 = arith.constant 0 : i32
    %lt3A_152 = arith.cmpi slt, %select_n3A_145, %lt3A_151 : i32
    %ne3A_153 = arith.xori %lt3A_150, %lt3A_152 : i1
    %and3A_154 = arith.andi %ne3A_153, %ne3A_148 : i1
    %add3A_155 = arith.addi %rem3A_146, %select_n3A_145 : i32
    %select_n3A_156 = arith.select %and3A_154, %add3A_155, %rem3A_146 : i32
    %jit3A_157 = arith.constant 8 : i32
    %eq3A_158 = arith.constant 0 : i32
    %eq3A_159 = arith.cmpi eq, %jit3A_157, %eq3A_158 : i32
    %jit3A_160 = arith.constant 1 : i32
    %select_n3A_161 = arith.select %eq3A_159, %jit3A_160, %jit3A_157 : i32
    %rem3A_162 = arith.remsi %add3A_92, %select_n3A_161 : i32
    %ne3A_163 = arith.constant 0 : i32
    %ne3A_164 = arith.cmpi ne, %rem3A_162, %ne3A_163 : i32
    %lt3A_165 = arith.constant 0 : i32
    %lt3A_166 = arith.cmpi slt, %rem3A_162, %lt3A_165 : i32
    %lt3A_167 = arith.constant 0 : i32
    %lt3A_168 = arith.cmpi slt, %select_n3A_161, %lt3A_167 : i32
    %ne3A_169 = arith.xori %lt3A_166, %lt3A_168 : i1
    %and3A_170 = arith.andi %ne3A_169, %ne3A_164 : i1
    %add3A_171 = arith.addi %rem3A_162, %select_n3A_161 : i32
    %select_n3A_172 = arith.select %and3A_170, %add3A_171, %rem3A_162 : i32
    %mul3A_173 = arith.constant 64 : i32
    %mul3A_174 = arith.muli %select_n3A_172, %mul3A_173 : i32
    %dma_start3A_175 = arith.constant 0 : i32
    %dma_start3A_176 = tpu.memref_slice %arg2[%select_n3A_116, %select_n3A_156, %mul3A_174, %dma_start3A_175] : memref<4x15x512x512xf32, #tpu.memory_space<hbm>> -> memref<1x1x64x512xf32, #tpu.memory_space<hbm>>
    %dma_start3A_177 = tpu.memref_squeeze %dma_start3A_176 : memref<1x1x64x512xf32, #tpu.memory_space<hbm>> -> memref<64x512xf32, #tpu.memory_space<hbm>>
    %dma_start3A_178 = arith.constant 0 : i32
    %dma_start3A_179 = tpu.memref_slice %arg2[%select_n3A_116, %select_n3A_156, %mul3A_174, %dma_start3A_178] : memref<4x15x512x512xf32, #tpu.memory_space<hbm>> -> memref<1x1x64x512xf32, #tpu.memory_space<hbm>>
    %dma_start3A_180 = tpu.memref_squeeze %dma_start3A_179 : memref<1x1x64x512xf32, #tpu.memory_space<hbm>> -> memref<64x512xf32, #tpu.memory_space<hbm>>
    tpu.enqueue_dma source(%arg3 : memref<64x512xf32, #tpu.memory_space<vmem>>) target(%dma_start3A_180 : memref<64x512xf32, #tpu.memory_space<hbm>>) target_semaphore(%arg4 : memref<!tpu.dma_semaphore, #tpu.memory_space<semaphore_mem>>)
    %mul3A_181 = arith.constant 15 : i32
    %mul3A_182 = arith.muli %add3A, %mul3A_181 : i32
    %add3A_183 = arith.constant 2 : i32
    %add3A_184 = arith.addi %mul3A_182, %add3A_183 : i32
    %jit3A_185 = arith.constant 120 : i32
    %div3A_186 = arith.divsi %add3A_184, %jit3A_185 : i32
    %sign3A_187 = arith.constant 0 : i32
    %sign3A_188 = arith.cmpi sgt, %add3A_184, %sign3A_187 : i32
    %sign3A_189 = arith.extui %sign3A_188 : i1 to i32
    %sign3A_190 = arith.constant 0 : i32
    %sign3A_191 = arith.cmpi slt, %add3A_184, %sign3A_190 : i32
    %sign3A_192 = arith.extui %sign3A_191 : i1 to i32
    %sign3A_193 = arith.subi %sign3A_189, %sign3A_192 : i32
    %sign3A_194 = arith.constant 0 : i32
    %sign3A_195 = arith.cmpi sgt, %jit3A_185, %sign3A_194 : i32
    %sign3A_196 = arith.extui %sign3A_195 : i1 to i32
    %sign3A_197 = arith.constant 0 : i32
    %sign3A_198 = arith.cmpi slt, %jit3A_185, %sign3A_197 : i32
    %sign3A_199 = arith.extui %sign3A_198 : i1 to i32
    %sign3A_200 = arith.subi %sign3A_196, %sign3A_199 : i32
    %ne3A_201 = arith.cmpi ne, %sign3A_193, %sign3A_200 : i32
    %rem3A_202 = arith.remsi %add3A_184, %jit3A_185 : i32
    %ne3A_203 = arith.constant 0 : i32
    %ne3A_204 = arith.cmpi ne, %rem3A_202, %ne3A_203 : i32
    %and3A_205 = arith.andi %ne3A_201, %ne3A_204 : i1
    %sub3A_206 = arith.constant 1 : i32
    %sub3A_207 = arith.subi %div3A_186, %sub3A_206 : i32
    %select_n3A_208 = arith.select %and3A_205, %sub3A_207, %div3A_186 : i32
    %jit3A_209 = arith.constant 8 : i32
    %div3A_210 = arith.divsi %add3A_184, %jit3A_209 : i32
    %sign3A_211 = arith.constant 0 : i32
    %sign3A_212 = arith.cmpi sgt, %add3A_184, %sign3A_211 : i32
    %sign3A_213 = arith.extui %sign3A_212 : i1 to i32
    %sign3A_214 = arith.constant 0 : i32
    %sign3A_215 = arith.cmpi slt, %add3A_184, %sign3A_214 : i32
    %sign3A_216 = arith.extui %sign3A_215 : i1 to i32
    %sign3A_217 = arith.subi %sign3A_213, %sign3A_216 : i32
    %sign3A_218 = arith.constant 0 : i32
    %sign3A_219 = arith.cmpi sgt, %jit3A_209, %sign3A_218 : i32
    %sign3A_220 = arith.extui %sign3A_219 : i1 to i32
    %sign3A_221 = arith.constant 0 : i32
    %sign3A_222 = arith.cmpi slt, %jit3A_209, %sign3A_221 : i32
    %sign3A_223 = arith.extui %sign3A_222 : i1 to i32
    %sign3A_224 = arith.subi %sign3A_220, %sign3A_223 : i32
    %ne3A_225 = arith.cmpi ne, %sign3A_217, %sign3A_224 : i32
    %rem3A_226 = arith.remsi %add3A_184, %jit3A_209 : i32
    %ne3A_227 = arith.constant 0 : i32
    %ne3A_228 = arith.cmpi ne, %rem3A_226, %ne3A_227 : i32
    %and3A_229 = arith.andi %ne3A_225, %ne3A_228 : i1
    %sub3A_230 = arith.constant 1 : i32
    %sub3A_231 = arith.subi %div3A_210, %sub3A_230 : i32
    %select_n3A_232 = arith.select %and3A_229, %sub3A_231, %div3A_210 : i32
    %jit3A_233 = arith.constant 15 : i32
    %eq3A_234 = arith.constant 0 : i32
    %eq3A_235 = arith.cmpi eq, %jit3A_233, %eq3A_234 : i32
    %jit3A_236 = arith.constant 1 : i32
    %select_n3A_237 = arith.select %eq3A_235, %jit3A_236, %jit3A_233 : i32
    %rem3A_238 = arith.remsi %select_n3A_232, %select_n3A_237 : i32
    %ne3A_239 = arith.constant 0 : i32
    %ne3A_240 = arith.cmpi ne, %rem3A_238, %ne3A_239 : i32
    %lt3A_241 = arith.constant 0 : i32
    %lt3A_242 = arith.cmpi slt, %rem3A_238, %lt3A_241 : i32
    %lt3A_243 = arith.constant 0 : i32
    %lt3A_244 = arith.cmpi slt, %select_n3A_237, %lt3A_243 : i32
    %ne3A_245 = arith.xori %lt3A_242, %lt3A_244 : i1
    %and3A_246 = arith.andi %ne3A_245, %ne3A_240 : i1
    %add3A_247 = arith.addi %rem3A_238, %select_n3A_237 : i32
    %select_n3A_248 = arith.select %and3A_246, %add3A_247, %rem3A_238 : i32
    %jit3A_249 = arith.constant 8 : i32
    %eq3A_250 = arith.constant 0 : i32
    %eq3A_251 = arith.cmpi eq, %jit3A_249, %eq3A_250 : i32
    %jit3A_252 = arith.constant 1 : i32
    %select_n3A_253 = arith.select %eq3A_251, %jit3A_252, %jit3A_249 : i32
    %rem3A_254 = arith.remsi %add3A_184, %select_n3A_253 : i32
    %ne3A_255 = arith.constant 0 : i32
    %ne3A_256 = arith.cmpi ne, %rem3A_254, %ne3A_255 : i32
    %lt3A_257 = arith.constant 0 : i32
    %lt3A_258 = arith.cmpi slt, %rem3A_254, %lt3A_257 : i32
    %lt3A_259 = arith.constant 0 : i32
    %lt3A_260 = arith.cmpi slt, %select_n3A_253, %lt3A_259 : i32
    %ne3A_261 = arith.xori %lt3A_258, %lt3A_260 : i1
    %and3A_262 = arith.andi %ne3A_261, %ne3A_256 : i1
    %add3A_263 = arith.addi %rem3A_254, %select_n3A_253 : i32
    %select_n3A_264 = arith.select %and3A_262, %add3A_263, %rem3A_254 : i32
    %mul3A_265 = arith.constant 64 : i32
    %mul3A_266 = arith.muli %select_n3A_264, %mul3A_265 : i32
    %dma_start3A_267 = arith.constant 0 : i32
    %dma_start3A_268 = tpu.memref_slice %arg2[%select_n3A_208, %select_n3A_248, %mul3A_266, %dma_start3A_267] : memref<4x15x512x512xf32, #tpu.memory_space<hbm>> -> memref<1x1x64x512xf32, #tpu.memory_space<hbm>>
    %dma_start3A_269 = tpu.memref_squeeze %dma_start3A_268 : memref<1x1x64x512xf32, #tpu.memory_space<hbm>> -> memref<64x512xf32, #tpu.memory_space<hbm>>
    %dma_start3A_270 = arith.constant 0 : i32
    %dma_start3A_271 = tpu.memref_slice %arg2[%select_n3A_208, %select_n3A_248, %mul3A_266, %dma_start3A_270] : memref<4x15x512x512xf32, #tpu.memory_space<hbm>> -> memref<1x1x64x512xf32, #tpu.memory_space<hbm>>
    %dma_start3A_272 = tpu.memref_squeeze %dma_start3A_271 : memref<1x1x64x512xf32, #tpu.memory_space<hbm>> -> memref<64x512xf32, #tpu.memory_space<hbm>>
    tpu.enqueue_dma source(%arg3 : memref<64x512xf32, #tpu.memory_space<vmem>>) target(%dma_start3A_272 : memref<64x512xf32, #tpu.memory_space<hbm>>) target_semaphore(%arg4 : memref<!tpu.dma_semaphore, #tpu.memory_space<semaphore_mem>>)
    %mul3A_273 = arith.constant 15 : i32
    %mul3A_274 = arith.muli %add3A, %mul3A_273 : i32
    %add3A_275 = arith.constant 3 : i32
    %add3A_276 = arith.addi %mul3A_274, %add3A_275 : i32
    %jit3A_277 = arith.constant 120 : i32
    %div3A_278 = arith.divsi %add3A_276, %jit3A_277 : i32
    %sign3A_279 = arith.constant 0 : i32
    %sign3A_280 = arith.cmpi sgt, %add3A_276, %sign3A_279 : i32
    %sign3A_281 = arith.extui %sign3A_280 : i1 to i32
    %sign3A_282 = arith.constant 0 : i32
    %sign3A_283 = arith.cmpi slt, %add3A_276, %sign3A_282 : i32
    %sign3A_284 = arith.extui %sign3A_283 : i1 to i32
    %sign3A_285 = arith.subi %sign3A_281, %sign3A_284 : i32
    %sign3A_286 = arith.constant 0 : i32
    %sign3A_287 = arith.cmpi sgt, %jit3A_277, %sign3A_286 : i32
    %sign3A_288 = arith.extui %sign3A_287 : i1 to i32
    %sign3A_289 = arith.constant 0 : i32
    %sign3A_290 = arith.cmpi slt, %jit3A_277, %sign3A_289 : i32
    %sign3A_291 = arith.extui %sign3A_290 : i1 to i32
    %sign3A_292 = arith.subi %sign3A_288, %sign3A_291 : i32
    %ne3A_293 = arith.cmpi ne, %sign3A_285, %sign3A_292 : i32
    %rem3A_294 = arith.remsi %add3A_276, %jit3A_277 : i32
    %ne3A_295 = arith.constant 0 : i32
    %ne3A_296 = arith.cmpi ne, %rem3A_294, %ne3A_295 : i32
    %and3A_297 = arith.andi %ne3A_293, %ne3A_296 : i1
    %sub3A_298 = arith.constant 1 : i32
    %sub3A_299 = arith.subi %div3A_278, %sub3A_298 : i32
    %select_n3A_300 = arith.select %and3A_297, %sub3A_299, %div3A_278 : i32
    %jit3A_301 = arith.constant 8 : i32
    %div3A_302 = arith.divsi %add3A_276, %jit3A_301 : i32
    %sign3A_303 = arith.constant 0 : i32
    %sign3A_304 = arith.cmpi sgt, %add3A_276, %sign3A_303 : i32
    %sign3A_305 = arith.extui %sign3A_304 : i1 to i32
    %sign3A_306 = arith.constant 0 : i32
    %sign3A_307 = arith.cmpi slt, %add3A_276, %sign3A_306 : i32
    %sign3A_308 = arith.extui %sign3A_307 : i1 to i32
    %sign3A_309 = arith.subi %sign3A_305, %sign3A_308 : i32
    %sign3A_310 = arith.constant 0 : i32
    %sign3A_311 = arith.cmpi sgt, %jit3A_301, %sign3A_310 : i32
    %sign3A_312 = arith.extui %sign3A_311 : i1 to i32
    %sign3A_313 = arith.constant 0 : i32
    %sign3A_314 = arith.cmpi slt, %jit3A_301, %sign3A_313 : i32
    %sign3A_315 = arith.extui %sign3A_314 : i1 to i32
    %sign3A_316 = arith.subi %sign3A_312, %sign3A_315 : i32
    %ne3A_317 = arith.cmpi ne, %sign3A_309, %sign3A_316 : i32
    %rem3A_318 = arith.remsi %add3A_276, %jit3A_301 : i32
    %ne3A_319 = arith.constant 0 : i32
    %ne3A_320 = arith.cmpi ne, %rem3A_318, %ne3A_319 : i32
    %and3A_321 = arith.andi %ne3A_317, %ne3A_320 : i1
    %sub3A_322 = arith.constant 1 : i32
    %sub3A_323 = arith.subi %div3A_302, %sub3A_322 : i32
    %select_n3A_324 = arith.select %and3A_321, %sub3A_323, %div3A_302 : i32
    %jit3A_325 = arith.constant 15 : i32
    %eq3A_326 = arith.constant 0 : i32
    %eq3A_327 = arith.cmpi eq, %jit3A_325, %eq3A_326 : i32
    %jit3A_328 = arith.constant 1 : i32
    %select_n3A_329 = arith.select %eq3A_327, %jit3A_328, %jit3A_325 : i32
    %rem3A_330 = arith.remsi %select_n3A_324, %select_n3A_329 : i32
    %ne3A_331 = arith.constant 0 : i32
    %ne3A_332 = arith.cmpi ne, %rem3A_330, %ne3A_331 : i32
    %lt3A_333 = arith.constant 0 : i32
    %lt3A_334 = arith.cmpi slt, %rem3A_330, %lt3A_333 : i32
    %lt3A_335 = arith.constant 0 : i32
    %lt3A_336 = arith.cmpi slt, %select_n3A_329, %lt3A_335 : i32
    %ne3A_337 = arith.xori %lt3A_334, %lt3A_336 : i1
    %and3A_338 = arith.andi %ne3A_337, %ne3A_332 : i1
    %add3A_339 = arith.addi %rem3A_330, %select_n3A_329 : i32
    %select_n3A_340 = arith.select %and3A_338, %add3A_339, %rem3A_330 : i32
    %jit3A_341 = arith.constant 8 : i32
    %eq3A_342 = arith.constant 0 : i32
    %eq3A_343 = arith.cmpi eq, %jit3A_341, %eq3A_342 : i32
    %jit3A_344 = arith.constant 1 : i32
    %select_n3A_345 = arith.select %eq3A_343, %jit3A_344, %jit3A_341 : i32
    %rem3A_346 = arith.remsi %add3A_276, %select_n3A_345 : i32
    %ne3A_347 = arith.constant 0 : i32
    %ne3A_348 = arith.cmpi ne, %rem3A_346, %ne3A_347 : i32
    %lt3A_349 = arith.constant 0 : i32
    %lt3A_350 = arith.cmpi slt, %rem3A_346, %lt3A_349 : i32
    %lt3A_351 = arith.constant 0 : i32
    %lt3A_352 = arith.cmpi slt, %select_n3A_345, %lt3A_351 : i32
    %ne3A_353 = arith.xori %lt3A_350, %lt3A_352 : i1
    %and3A_354 = arith.andi %ne3A_353, %ne3A_348 : i1
    %add3A_355 = arith.addi %rem3A_346, %select_n3A_345 : i32
    %select_n3A_356 = arith.select %and3A_354, %add3A_355, %rem3A_346 : i32
    %mul3A_357 = arith.constant 64 : i32
    %mul3A_358 = arith.muli %select_n3A_356, %mul3A_357 : i32
    %dma_start3A_359 = arith.constant 0 : i32
    %dma_start3A_360 = tpu.memref_slice %arg2[%select_n3A_300, %select_n3A_340, %mul3A_358, %dma_start3A_359] : memref<4x15x512x512xf32, #tpu.memory_space<hbm>> -> memref<1x1x64x512xf32, #tpu.memory_space<hbm>>
    %dma_start3A_361 = tpu.memref_squeeze %dma_start3A_360 : memref<1x1x64x512xf32, #tpu.memory_space<hbm>> -> memref<64x512xf32, #tpu.memory_space<hbm>>
    %dma_start3A_362 = arith.constant 0 : i32
    %dma_start3A_363 = tpu.memref_slice %arg2[%select_n3A_300, %select_n3A_340, %mul3A_358, %dma_start3A_362] : memref<4x15x512x512xf32, #tpu.memory_space<hbm>> -> memref<1x1x64x512xf32, #tpu.memory_space<hbm>>
    %dma_start3A_364 = tpu.memref_squeeze %dma_start3A_363 : memref<1x1x64x512xf32, #tpu.memory_space<hbm>> -> memref<64x512xf32, #tpu.memory_space<hbm>>
    tpu.enqueue_dma source(%arg3 : memref<64x512xf32, #tpu.memory_space<vmem>>) target(%dma_start3A_364 : memref<64x512xf32, #tpu.memory_space<hbm>>) target_semaphore(%arg4 : memref<!tpu.dma_semaphore, #tpu.memory_space<semaphore_mem>>)
    %mul3A_365 = arith.constant 15 : i32
    %mul3A_366 = arith.muli %add3A, %mul3A_365 : i32
    %add3A_367 = arith.constant 4 : i32
    %add3A_368 = arith.addi %mul3A_366, %add3A_367 : i32
    %jit3A_369 = arith.constant 120 : i32
    %div3A_370 = arith.divsi %add3A_368, %jit3A_369 : i32
    %sign3A_371 = arith.constant 0 : i32
    %sign3A_372 = arith.cmpi sgt, %add3A_368, %sign3A_371 : i32
    %sign3A_373 = arith.extui %sign3A_372 : i1 to i32
    %sign3A_374 = arith.constant 0 : i32
    %sign3A_375 = arith.cmpi slt, %add3A_368, %sign3A_374 : i32
    %sign3A_376 = arith.extui %sign3A_375 : i1 to i32
    %sign3A_377 = arith.subi %sign3A_373, %sign3A_376 : i32
    %sign3A_378 = arith.constant 0 : i32
    %sign3A_379 = arith.cmpi sgt, %jit3A_369, %sign3A_378 : i32
    %sign3A_380 = arith.extui %sign3A_379 : i1 to i32
    %sign3A_381 = arith.constant 0 : i32
    %sign3A_382 = arith.cmpi slt, %jit3A_369, %sign3A_381 : i32
    %sign3A_383 = arith.extui %sign3A_382 : i1 to i32
    %sign3A_384 = arith.subi %sign3A_380, %sign3A_383 : i32
    %ne3A_385 = arith.cmpi ne, %sign3A_377, %sign3A_384 : i32
    %rem3A_386 = arith.remsi %add3A_368, %jit3A_369 : i32
    %ne3A_387 = arith.constant 0 : i32
    %ne3A_388 = arith.cmpi ne, %rem3A_386, %ne3A_387 : i32
    %and3A_389 = arith.andi %ne3A_385, %ne3A_388 : i1
    %sub3A_390 = arith.constant 1 : i32
    %sub3A_391 = arith.subi %div3A_370, %sub3A_390 : i32
    %select_n3A_392 = arith.select %and3A_389, %sub3A_391, %div3A_370 : i32
    %jit3A_393 = arith.constant 8 : i32
    %div3A_394 = arith.divsi %add3A_368, %jit3A_393 : i32
    %sign3A_395 = arith.constant 0 : i32
    %sign3A_396 = arith.cmpi sgt, %add3A_368, %sign3A_395 : i32
    %sign3A_397 = arith.extui %sign3A_396 : i1 to i32
    %sign3A_398 = arith.constant 0 : i32
    %sign3A_399 = arith.cmpi slt, %add3A_368, %sign3A_398 : i32
    %sign3A_400 = arith.extui %sign3A_399 : i1 to i32
    %sign3A_401 = arith.subi %sign3A_397, %sign3A_400 : i32
    %sign3A_402 = arith.constant 0 : i32
    %sign3A_403 = arith.cmpi sgt, %jit3A_393, %sign3A_402 : i32
    %sign3A_404 = arith.extui %sign3A_403 : i1 to i32
    %sign3A_405 = arith.constant 0 : i32
    %sign3A_406 = arith.cmpi slt, %jit3A_393, %sign3A_405 : i32
    %sign3A_407 = arith.extui %sign3A_406 : i1 to i32
    %sign3A_408 = arith.subi %sign3A_404, %sign3A_407 : i32
    %ne3A_409 = arith.cmpi ne, %sign3A_401, %sign3A_408 : i32
    %rem3A_410 = arith.remsi %add3A_368, %jit3A_393 : i32
    %ne3A_411 = arith.constant 0 : i32
    %ne3A_412 = arith.cmpi ne, %rem3A_410, %ne3A_411 : i32
    %and3A_413 = arith.andi %ne3A_409, %ne3A_412 : i1
    %sub3A_414 = arith.constant 1 : i32
    %sub3A_415 = arith.subi %div3A_394, %sub3A_414 : i32
    %select_n3A_416 = arith.select %and3A_413, %sub3A_415, %div3A_394 : i32
    %jit3A_417 = arith.constant 15 : i32
    %eq3A_418 = arith.constant 0 : i32
    %eq3A_419 = arith.cmpi eq, %jit3A_417, %eq3A_418 : i32
    %jit3A_420 = arith.constant 1 : i32
    %select_n3A_421 = arith.select %eq3A_419, %jit3A_420, %jit3A_417 : i32
    %rem3A_422 = arith.remsi %select_n3A_416, %select_n3A_421 : i32
    %ne3A_423 = arith.constant 0 : i32
    %ne3A_424 = arith.cmpi ne, %rem3A_422, %ne3A_423 : i32
    %lt3A_425 = arith.constant 0 : i32
    %lt3A_426 = arith.cmpi slt, %rem3A_422, %lt3A_425 : i32
    %lt3A_427 = arith.constant 0 : i32
    %lt3A_428 = arith.cmpi slt, %select_n3A_421, %lt3A_427 : i32
    %ne3A_429 = arith.xori %lt3A_426, %lt3A_428 : i1
    %and3A_430 = arith.andi %ne3A_429, %ne3A_424 : i1
    %add3A_431 = arith.addi %rem3A_422, %select_n3A_421 : i32
    %select_n3A_432 = arith.select %and3A_430, %add3A_431, %rem3A_422 : i32
    %jit3A_433 = arith.constant 8 : i32
    %eq3A_434 = arith.constant 0 : i32
    %eq3A_435 = arith.cmpi eq, %jit3A_433, %eq3A_434 : i32
    %jit3A_436 = arith.constant 1 : i32
    %select_n3A_437 = arith.select %eq3A_435, %jit3A_436, %jit3A_433 : i32
    %rem3A_438 = arith.remsi %add3A_368, %select_n3A_437 : i32
    %ne3A_439 = arith.constant 0 : i32
    %ne3A_440 = arith.cmpi ne, %rem3A_438, %ne3A_439 : i32
    %lt3A_441 = arith.constant 0 : i32
    %lt3A_442 = arith.cmpi slt, %rem3A_438, %lt3A_441 : i32
    %lt3A_443 = arith.constant 0 : i32
    %lt3A_444 = arith.cmpi slt, %select_n3A_437, %lt3A_443 : i32
    %ne3A_445 = arith.xori %lt3A_442, %lt3A_444 : i1
    %and3A_446 = arith.andi %ne3A_445, %ne3A_440 : i1
    %add3A_447 = arith.addi %rem3A_438, %select_n3A_437 : i32
    %select_n3A_448 = arith.select %and3A_446, %add3A_447, %rem3A_438 : i32
    %mul3A_449 = arith.constant 64 : i32
    %mul3A_450 = arith.muli %select_n3A_448, %mul3A_449 : i32
    %dma_start3A_451 = arith.constant 0 : i32
    %dma_start3A_452 = tpu.memref_slice %arg2[%select_n3A_392, %select_n3A_432, %mul3A_450, %dma_start3A_451] : memref<4x15x512x512xf32, #tpu.memory_space<hbm>> -> memref<1x1x64x512xf32, #tpu.memory_space<hbm>>
    %dma_start3A_453 = tpu.memref_squeeze %dma_start3A_452 : memref<1x1x64x512xf32, #tpu.memory_space<hbm>> -> memref<64x512xf32, #tpu.memory_space<hbm>>
    %dma_start3A_454 = arith.constant 0 : i32
    %dma_start3A_455 = tpu.memref_slice %arg2[%select_n3A_392, %select_n3A_432, %mul3A_450, %dma_start3A_454] : memref<4x15x512x512xf32, #tpu.memory_space<hbm>> -> memref<1x1x64x512xf32, #tpu.memory_space<hbm>>
    %dma_start3A_456 = tpu.memref_squeeze %dma_start3A_455 : memref<1x1x64x512xf32, #tpu.memory_space<hbm>> -> memref<64x512xf32, #tpu.memory_space<hbm>>
    tpu.enqueue_dma source(%arg3 : memref<64x512xf32, #tpu.memory_space<vmem>>) target(%dma_start3A_456 : memref<64x512xf32, #tpu.memory_space<hbm>>) target_semaphore(%arg4 : memref<!tpu.dma_semaphore, #tpu.memory_space<semaphore_mem>>)
    %mul3A_457 = arith.constant 15 : i32
    %mul3A_458 = arith.muli %add3A, %mul3A_457 : i32
    %add3A_459 = arith.constant 5 : i32
    %add3A_460 = arith.addi %mul3A_458, %add3A_459 : i32
    %jit3A_461 = arith.constant 120 : i32
    %div3A_462 = arith.divsi %add3A_460, %jit3A_461 : i32
    %sign3A_463 = arith.constant 0 : i32
    %sign3A_464 = arith.cmpi sgt, %add3A_460, %sign3A_463 : i32
    %sign3A_465 = arith.extui %sign3A_464 : i1 to i32
    %sign3A_466 = arith.constant 0 : i32
    %sign3A_467 = arith.cmpi slt, %add3A_460, %sign3A_466 : i32
    %sign3A_468 = arith.extui %sign3A_467 : i1 to i32
    %sign3A_469 = arith.subi %sign3A_465, %sign3A_468 : i32
    %sign3A_470 = arith.constant 0 : i32
    %sign3A_471 = arith.cmpi sgt, %jit3A_461, %sign3A_470 : i32
    %sign3A_472 = arith.extui %sign3A_471 : i1 to i32
    %sign3A_473 = arith.constant 0 : i32
    %sign3A_474 = arith.cmpi slt, %jit3A_461, %sign3A_473 : i32
    %sign3A_475 = arith.extui %sign3A_474 : i1 to i32
    %sign3A_476 = arith.subi %sign3A_472, %sign3A_475 : i32
    %ne3A_477 = arith.cmpi ne, %sign3A_469, %sign3A_476 : i32
    %rem3A_478 = arith.remsi %add3A_460, %jit3A_461 : i32
    %ne3A_479 = arith.constant 0 : i32
    %ne3A_480 = arith.cmpi ne, %rem3A_478, %ne3A_479 : i32
    %and3A_481 = arith.andi %ne3A_477, %ne3A_480 : i1
    %sub3A_482 = arith.constant 1 : i32
    %sub3A_483 = arith.subi %div3A_462, %sub3A_482 : i32
    %select_n3A_484 = arith.select %and3A_481, %sub3A_483, %div3A_462 : i32
    %jit3A_485 = arith.constant 8 : i32
    %div3A_486 = arith.divsi %add3A_460, %jit3A_485 : i32
    %sign3A_487 = arith.constant 0 : i32
    %sign3A_488 = arith.cmpi sgt, %add3A_460, %sign3A_487 : i32
    %sign3A_489 = arith.extui %sign3A_488 : i1 to i32
    %sign3A_490 = arith.constant 0 : i32
    %sign3A_491 = arith.cmpi slt, %add3A_460, %sign3A_490 : i32
    %sign3A_492 = arith.extui %sign3A_491 : i1 to i32
    %sign3A_493 = arith.subi %sign3A_489, %sign3A_492 : i32
    %sign3A_494 = arith.constant 0 : i32
    %sign3A_495 = arith.cmpi sgt, %jit3A_485, %sign3A_494 : i32
    %sign3A_496 = arith.extui %sign3A_495 : i1 to i32
    %sign3A_497 = arith.constant 0 : i32
    %sign3A_498 = arith.cmpi slt, %jit3A_485, %sign3A_497 : i32
    %sign3A_499 = arith.extui %sign3A_498 : i1 to i32
    %sign3A_500 = arith.subi %sign3A_496, %sign3A_499 : i32
    %ne3A_501 = arith.cmpi ne, %sign3A_493, %sign3A_500 : i32
    %rem3A_502 = arith.remsi %add3A_460, %jit3A_485 : i32
    %ne3A_503 = arith.constant 0 : i32
    %ne3A_504 = arith.cmpi ne, %rem3A_502, %ne3A_503 : i32
    %and3A_505 = arith.andi %ne3A_501, %ne3A_504 : i1
    %sub3A_506 = arith.constant 1 : i32
    %sub3A_507 = arith.subi %div3A_486, %sub3A_506 : i32
    %select_n3A_508 = arith.select %and3A_505, %sub3A_507, %div3A_486 : i32
    %jit3A_509 = arith.constant 15 : i32
    %eq3A_510 = arith.constant 0 : i32
    %eq3A_511 = arith.cmpi eq, %jit3A_509, %eq3A_510 : i32
    %jit3A_512 = arith.constant 1 : i32
    %select_n3A_513 = arith.select %eq3A_511, %jit3A_512, %jit3A_509 : i32
    %rem3A_514 = arith.remsi %select_n3A_508, %select_n3A_513 : i32
    %ne3A_515 = arith.constant 0 : i32
    %ne3A_516 = arith.cmpi ne, %rem3A_514, %ne3A_515 : i32
    %lt3A_517 = arith.constant 0 : i32
    %lt3A_518 = arith.cmpi slt, %rem3A_514, %lt3A_517 : i32
    %lt3A_519 = arith.constant 0 : i32
    %lt3A_520 = arith.cmpi slt, %select_n3A_513, %lt3A_519 : i32
    %ne3A_521 = arith.xori %lt3A_518, %lt3A_520 : i1
    %and3A_522 = arith.andi %ne3A_521, %ne3A_516 : i1
    %add3A_523 = arith.addi %rem3A_514, %select_n3A_513 : i32
    %select_n3A_524 = arith.select %and3A_522, %add3A_523, %rem3A_514 : i32
    %jit3A_525 = arith.constant 8 : i32
    %eq3A_526 = arith.constant 0 : i32
    %eq3A_527 = arith.cmpi eq, %jit3A_525, %eq3A_526 : i32
    %jit3A_528 = arith.constant 1 : i32
    %select_n3A_529 = arith.select %eq3A_527, %jit3A_528, %jit3A_525 : i32
    %rem3A_530 = arith.remsi %add3A_460, %select_n3A_529 : i32
    %ne3A_531 = arith.constant 0 : i32
    %ne3A_532 = arith.cmpi ne, %rem3A_530, %ne3A_531 : i32
    %lt3A_533 = arith.constant 0 : i32
    %lt3A_534 = arith.cmpi slt, %rem3A_530, %lt3A_533 : i32
    %lt3A_535 = arith.constant 0 : i32
    %lt3A_536 = arith.cmpi slt, %select_n3A_529, %lt3A_535 : i32
    %ne3A_537 = arith.xori %lt3A_534, %lt3A_536 : i1
    %and3A_538 = arith.andi %ne3A_537, %ne3A_532 : i1
    %add3A_539 = arith.addi %rem3A_530, %select_n3A_529 : i32
    %select_n3A_540 = arith.select %and3A_538, %add3A_539, %rem3A_530 : i32
    %mul3A_541 = arith.constant 64 : i32
    %mul3A_542 = arith.muli %select_n3A_540, %mul3A_541 : i32
    %dma_start3A_543 = arith.constant 0 : i32
    %dma_start3A_544 = tpu.memref_slice %arg2[%select_n3A_484, %select_n3A_524, %mul3A_542, %dma_start3A_543] : memref<4x15x512x512xf32, #tpu.memory_space<hbm>> -> memref<1x1x64x512xf32, #tpu.memory_space<hbm>>
    %dma_start3A_545 = tpu.memref_squeeze %dma_start3A_544 : memref<1x1x64x512xf32, #tpu.memory_space<hbm>> -> memref<64x512xf32, #tpu.memory_space<hbm>>
    %dma_start3A_546 = arith.constant 0 : i32
    %dma_start3A_547 = tpu.memref_slice %arg2[%select_n3A_484, %select_n3A_524, %mul3A_542, %dma_start3A_546] : memref<4x15x512x512xf32, #tpu.memory_space<hbm>> -> memref<1x1x64x512xf32, #tpu.memory_space<hbm>>
    %dma_start3A_548 = tpu.memref_squeeze %dma_start3A_547 : memref<1x1x64x512xf32, #tpu.memory_space<hbm>> -> memref<64x512xf32, #tpu.memory_space<hbm>>
    tpu.enqueue_dma source(%arg3 : memref<64x512xf32, #tpu.memory_space<vmem>>) target(%dma_start3A_548 : memref<64x512xf32, #tpu.memory_space<hbm>>) target_semaphore(%arg4 : memref<!tpu.dma_semaphore, #tpu.memory_space<semaphore_mem>>)
    %mul3A_549 = arith.constant 15 : i32
    %mul3A_550 = arith.muli %add3A, %mul3A_549 : i32
    %add3A_551 = arith.constant 6 : i32
    %add3A_552 = arith.addi %mul3A_550, %add3A_551 : i32
    %jit3A_553 = arith.constant 120 : i32
    %div3A_554 = arith.divsi %add3A_552, %jit3A_553 : i32
    %sign3A_555 = arith.constant 0 : i32
    %sign3A_556 = arith.cmpi sgt, %add3A_552, %sign3A_555 : i32
    %sign3A_557 = arith.extui %sign3A_556 : i1 to i32
    %sign3A_558 = arith.constant 0 : i32
    %sign3A_559 = arith.cmpi slt, %add3A_552, %sign3A_558 : i32
    %sign3A_560 = arith.extui %sign3A_559 : i1 to i32
    %sign3A_561 = arith.subi %sign3A_557, %sign3A_560 : i32
    %sign3A_562 = arith.constant 0 : i32
    %sign3A_563 = arith.cmpi sgt, %jit3A_553, %sign3A_562 : i32
    %sign3A_564 = arith.extui %sign3A_563 : i1 to i32
    %sign3A_565 = arith.constant 0 : i32
    %sign3A_566 = arith.cmpi slt, %jit3A_553, %sign3A_565 : i32
    %sign3A_567 = arith.extui %sign3A_566 : i1 to i32
    %sign3A_568 = arith.subi %sign3A_564, %sign3A_567 : i32
    %ne3A_569 = arith.cmpi ne, %sign3A_561, %sign3A_568 : i32
    %rem3A_570 = arith.remsi %add3A_552, %jit3A_553 : i32
    %ne3A_571 = arith.constant 0 : i32
    %ne3A_572 = arith.cmpi ne, %rem3A_570, %ne3A_571 : i32
    %and3A_573 = arith.andi %ne3A_569, %ne3A_572 : i1
    %sub3A_574 = arith.constant 1 : i32
    %sub3A_575 = arith.subi %div3A_554, %sub3A_574 : i32
    %select_n3A_576 = arith.select %and3A_573, %sub3A_575, %div3A_554 : i32
    %jit3A_577 = arith.constant 8 : i32
    %div3A_578 = arith.divsi %add3A_552, %jit3A_577 : i32
    %sign3A_579 = arith.constant 0 : i32
    %sign3A_580 = arith.cmpi sgt, %add3A_552, %sign3A_579 : i32
    %sign3A_581 = arith.extui %sign3A_580 : i1 to i32
    %sign3A_582 = arith.constant 0 : i32
    %sign3A_583 = arith.cmpi slt, %add3A_552, %sign3A_582 : i32
    %sign3A_584 = arith.extui %sign3A_583 : i1 to i32
    %sign3A_585 = arith.subi %sign3A_581, %sign3A_584 : i32
    %sign3A_586 = arith.constant 0 : i32
    %sign3A_587 = arith.cmpi sgt, %jit3A_577, %sign3A_586 : i32
    %sign3A_588 = arith.extui %sign3A_587 : i1 to i32
    %sign3A_589 = arith.constant 0 : i32
    %sign3A_590 = arith.cmpi slt, %jit3A_577, %sign3A_589 : i32
    %sign3A_591 = arith.extui %sign3A_590 : i1 to i32
    %sign3A_592 = arith.subi %sign3A_588, %sign3A_591 : i32
    %ne3A_593 = arith.cmpi ne, %sign3A_585, %sign3A_592 : i32
    %rem3A_594 = arith.remsi %add3A_552, %jit3A_577 : i32
    %ne3A_595 = arith.constant 0 : i32
    %ne3A_596 = arith.cmpi ne, %rem3A_594, %ne3A_595 : i32
    %and3A_597 = arith.andi %ne3A_593, %ne3A_596 : i1
    %sub3A_598 = arith.constant 1 : i32
    %sub3A_599 = arith.subi %div3A_578, %sub3A_598 : i32
    %select_n3A_600 = arith.select %and3A_597, %sub3A_599, %div3A_578 : i32
    %jit3A_601 = arith.constant 15 : i32
    %eq3A_602 = arith.constant 0 : i32
    %eq3A_603 = arith.cmpi eq, %jit3A_601, %eq3A_602 : i32
    %jit3A_604 = arith.constant 1 : i32
    %select_n3A_605 = arith.select %eq3A_603, %jit3A_604, %jit3A_601 : i32
    %rem3A_606 = arith.remsi %select_n3A_600, %select_n3A_605 : i32
    %ne3A_607 = arith.constant 0 : i32
    %ne3A_608 = arith.cmpi ne, %rem3A_606, %ne3A_607 : i32
    %lt3A_609 = arith.constant 0 : i32
    %lt3A_610 = arith.cmpi slt, %rem3A_606, %lt3A_609 : i32
    %lt3A_611 = arith.constant 0 : i32
    %lt3A_612 = arith.cmpi slt, %select_n3A_605, %lt3A_611 : i32
    %ne3A_613 = arith.xori %lt3A_610, %lt3A_612 : i1
    %and3A_614 = arith.andi %ne3A_613, %ne3A_608 : i1
    %add3A_615 = arith.addi %rem3A_606, %select_n3A_605 : i32
    %select_n3A_616 = arith.select %and3A_614, %add3A_615, %rem3A_606 : i32
    %jit3A_617 = arith.constant 8 : i32
    %eq3A_618 = arith.constant 0 : i32
    %eq3A_619 = arith.cmpi eq, %jit3A_617, %eq3A_618 : i32
    %jit3A_620 = arith.constant 1 : i32
    %select_n3A_621 = arith.select %eq3A_619, %jit3A_620, %jit3A_617 : i32
    %rem3A_622 = arith.remsi %add3A_552, %select_n3A_621 : i32
    %ne3A_623 = arith.constant 0 : i32
    %ne3A_624 = arith.cmpi ne, %rem3A_622, %ne3A_623 : i32
    %lt3A_625 = arith.constant 0 : i32
    %lt3A_626 = arith.cmpi slt, %rem3A_622, %lt3A_625 : i32
    %lt3A_627 = arith.constant 0 : i32
    %lt3A_628 = arith.cmpi slt, %select_n3A_621, %lt3A_627 : i32
    %ne3A_629 = arith.xori %lt3A_626, %lt3A_628 : i1
    %and3A_630 = arith.andi %ne3A_629, %ne3A_624 : i1
    %add3A_631 = arith.addi %rem3A_622, %select_n3A_621 : i32
    %select_n3A_632 = arith.select %and3A_630, %add3A_631, %rem3A_622 : i32
    %mul3A_633 = arith.constant 64 : i32
    %mul3A_634 = arith.muli %select_n3A_632, %mul3A_633 : i32
    %dma_start3A_635 = arith.constant 0 : i32
    %dma_start3A_636 = tpu.memref_slice %arg2[%select_n3A_576, %select_n3A_616, %mul3A_634, %dma_start3A_635] : memref<4x15x512x512xf32, #tpu.memory_space<hbm>> -> memref<1x1x64x512xf32, #tpu.memory_space<hbm>>
    %dma_start3A_637 = tpu.memref_squeeze %dma_start3A_636 : memref<1x1x64x512xf32, #tpu.memory_space<hbm>> -> memref<64x512xf32, #tpu.memory_space<hbm>>
    %dma_start3A_638 = arith.constant 0 : i32
    %dma_start3A_639 = tpu.memref_slice %arg2[%select_n3A_576, %select_n3A_616, %mul3A_634, %dma_start3A_638] : memref<4x15x512x512xf32, #tpu.memory_space<hbm>> -> memref<1x1x64x512xf32, #tpu.memory_space<hbm>>
    %dma_start3A_640 = tpu.memref_squeeze %dma_start3A_639 : memref<1x1x64x512xf32, #tpu.memory_space<hbm>> -> memref<64x512xf32, #tpu.memory_space<hbm>>
    tpu.enqueue_dma source(%arg3 : memref<64x512xf32, #tpu.memory_space<vmem>>) target(%dma_start3A_640 : memref<64x512xf32, #tpu.memory_space<hbm>>) target_semaphore(%arg4 : memref<!tpu.dma_semaphore, #tpu.memory_space<semaphore_mem>>)
    %mul3A_641 = arith.constant 15 : i32
    %mul3A_642 = arith.muli %add3A, %mul3A_641 : i32
    %add3A_643 = arith.constant 7 : i32
    %add3A_644 = arith.addi %mul3A_642, %add3A_643 : i32
    %jit3A_645 = arith.constant 120 : i32
    %div3A_646 = arith.divsi %add3A_644, %jit3A_645 : i32
    %sign3A_647 = arith.constant 0 : i32
    %sign3A_648 = arith.cmpi sgt, %add3A_644, %sign3A_647 : i32
    %sign3A_649 = arith.extui %sign3A_648 : i1 to i32
    %sign3A_650 = arith.constant 0 : i32
    %sign3A_651 = arith.cmpi slt, %add3A_644, %sign3A_650 : i32
    %sign3A_652 = arith.extui %sign3A_651 : i1 to i32
    %sign3A_653 = arith.subi %sign3A_649, %sign3A_652 : i32
    %sign3A_654 = arith.constant 0 : i32
    %sign3A_655 = arith.cmpi sgt, %jit3A_645, %sign3A_654 : i32
    %sign3A_656 = arith.extui %sign3A_655 : i1 to i32
    %sign3A_657 = arith.constant 0 : i32
    %sign3A_658 = arith.cmpi slt, %jit3A_645, %sign3A_657 : i32
    %sign3A_659 = arith.extui %sign3A_658 : i1 to i32
    %sign3A_660 = arith.subi %sign3A_656, %sign3A_659 : i32
    %ne3A_661 = arith.cmpi ne, %sign3A_653, %sign3A_660 : i32
    %rem3A_662 = arith.remsi %add3A_644, %jit3A_645 : i32
    %ne3A_663 = arith.constant 0 : i32
    %ne3A_664 = arith.cmpi ne, %rem3A_662, %ne3A_663 : i32
    %and3A_665 = arith.andi %ne3A_661, %ne3A_664 : i1
    %sub3A_666 = arith.constant 1 : i32
    %sub3A_667 = arith.subi %div3A_646, %sub3A_666 : i32
    %select_n3A_668 = arith.select %and3A_665, %sub3A_667, %div3A_646 : i32
    %jit3A_669 = arith.constant 8 : i32
    %div3A_670 = arith.divsi %add3A_644, %jit3A_669 : i32
    %sign3A_671 = arith.constant 0 : i32
    %sign3A_672 = arith.cmpi sgt, %add3A_644, %sign3A_671 : i32
    %sign3A_673 = arith.extui %sign3A_672 : i1 to i32
    %sign3A_674 = arith.constant 0 : i32
    %sign3A_675 = arith.cmpi slt, %add3A_644, %sign3A_674 : i32
    %sign3A_676 = arith.extui %sign3A_675 : i1 to i32
    %sign3A_677 = arith.subi %sign3A_673, %sign3A_676 : i32
    %sign3A_678 = arith.constant 0 : i32
    %sign3A_679 = arith.cmpi sgt, %jit3A_669, %sign3A_678 : i32
    %sign3A_680 = arith.extui %sign3A_679 : i1 to i32
    %sign3A_681 = arith.constant 0 : i32
    %sign3A_682 = arith.cmpi slt, %jit3A_669, %sign3A_681 : i32
    %sign3A_683 = arith.extui %sign3A_682 : i1 to i32
    %sign3A_684 = arith.subi %sign3A_680, %sign3A_683 : i32
    %ne3A_685 = arith.cmpi ne, %sign3A_677, %sign3A_684 : i32
    %rem3A_686 = arith.remsi %add3A_644, %jit3A_669 : i32
    %ne3A_687 = arith.constant 0 : i32
    %ne3A_688 = arith.cmpi ne, %rem3A_686, %ne3A_687 : i32
    %and3A_689 = arith.andi %ne3A_685, %ne3A_688 : i1
    %sub3A_690 = arith.constant 1 : i32
    %sub3A_691 = arith.subi %div3A_670, %sub3A_690 : i32
    %select_n3A_692 = arith.select %and3A_689, %sub3A_691, %div3A_670 : i32
    %jit3A_693 = arith.constant 15 : i32
    %eq3A_694 = arith.constant 0 : i32
    %eq3A_695 = arith.cmpi eq, %jit3A_693, %eq3A_694 : i32
    %jit3A_696 = arith.constant 1 : i32
    %select_n3A_697 = arith.select %eq3A_695, %jit3A_696, %jit3A_693 : i32
    %rem3A_698 = arith.remsi %select_n3A_692, %select_n3A_697 : i32
    %ne3A_699 = arith.constant 0 : i32
    %ne3A_700 = arith.cmpi ne, %rem3A_698, %ne3A_699 : i32
    %lt3A_701 = arith.constant 0 : i32
    %lt3A_702 = arith.cmpi slt, %rem3A_698, %lt3A_701 : i32
    %lt3A_703 = arith.constant 0 : i32
    %lt3A_704 = arith.cmpi slt, %select_n3A_697, %lt3A_703 : i32
    %ne3A_705 = arith.xori %lt3A_702, %lt3A_704 : i1
    %and3A_706 = arith.andi %ne3A_705, %ne3A_700 : i1
    %add3A_707 = arith.addi %rem3A_698, %select_n3A_697 : i32
    %select_n3A_708 = arith.select %and3A_706, %add3A_707, %rem3A_698 : i32
    %jit3A_709 = arith.constant 8 : i32
    %eq3A_710 = arith.constant 0 : i32
    %eq3A_711 = arith.cmpi eq, %jit3A_709, %eq3A_710 : i32
    %jit3A_712 = arith.constant 1 : i32
    %select_n3A_713 = arith.select %eq3A_711, %jit3A_712, %jit3A_709 : i32
    %rem3A_714 = arith.remsi %add3A_644, %select_n3A_713 : i32
    %ne3A_715 = arith.constant 0 : i32
    %ne3A_716 = arith.cmpi ne, %rem3A_714, %ne3A_715 : i32
    %lt3A_717 = arith.constant 0 : i32
    %lt3A_718 = arith.cmpi slt, %rem3A_714, %lt3A_717 : i32
    %lt3A_719 = arith.constant 0 : i32
    %lt3A_720 = arith.cmpi slt, %select_n3A_713, %lt3A_719 : i32
    %ne3A_721 = arith.xori %lt3A_718, %lt3A_720 : i1
    %and3A_722 = arith.andi %ne3A_721, %ne3A_716 : i1
    %add3A_723 = arith.addi %rem3A_714, %select_n3A_713 : i32
    %select_n3A_724 = arith.select %and3A_722, %add3A_723, %rem3A_714 : i32
    %mul3A_725 = arith.constant 64 : i32
    %mul3A_726 = arith.muli %select_n3A_724, %mul3A_725 : i32
    %dma_start3A_727 = arith.constant 0 : i32
    %dma_start3A_728 = tpu.memref_slice %arg2[%select_n3A_668, %select_n3A_708, %mul3A_726, %dma_start3A_727] : memref<4x15x512x512xf32, #tpu.memory_space<hbm>> -> memref<1x1x64x512xf32, #tpu.memory_space<hbm>>
    %dma_start3A_729 = tpu.memref_squeeze %dma_start3A_728 : memref<1x1x64x512xf32, #tpu.memory_space<hbm>> -> memref<64x512xf32, #tpu.memory_space<hbm>>
    %dma_start3A_730 = arith.constant 0 : i32
    %dma_start3A_731 = tpu.memref_slice %arg2[%select_n3A_668, %select_n3A_708, %mul3A_726, %dma_start3A_730] : memref<4x15x512x512xf32, #tpu.memory_space<hbm>> -> memref<1x1x64x512xf32, #tpu.memory_space<hbm>>
    %dma_start3A_732 = tpu.memref_squeeze %dma_start3A_731 : memref<1x1x64x512xf32, #tpu.memory_space<hbm>> -> memref<64x512xf32, #tpu.memory_space<hbm>>
    tpu.enqueue_dma source(%arg3 : memref<64x512xf32, #tpu.memory_space<vmem>>) target(%dma_start3A_732 : memref<64x512xf32, #tpu.memory_space<hbm>>) target_semaphore(%arg4 : memref<!tpu.dma_semaphore, #tpu.memory_space<semaphore_mem>>)
    %mul3A_733 = arith.constant 15 : i32
    %mul3A_734 = arith.muli %add3A, %mul3A_733 : i32
    %add3A_735 = arith.constant 8 : i32
    %add3A_736 = arith.addi %mul3A_734, %add3A_735 : i32
    %jit3A_737 = arith.constant 120 : i32
    %div3A_738 = arith.divsi %add3A_736, %jit3A_737 : i32
    %sign3A_739 = arith.constant 0 : i32
    %sign3A_740 = arith.cmpi sgt, %add3A_736, %sign3A_739 : i32
    %sign3A_741 = arith.extui %sign3A_740 : i1 to i32
    %sign3A_742 = arith.constant 0 : i32
    %sign3A_743 = arith.cmpi slt, %add3A_736, %sign3A_742 : i32
    %sign3A_744 = arith.extui %sign3A_743 : i1 to i32
    %sign3A_745 = arith.subi %sign3A_741, %sign3A_744 : i32
    %sign3A_746 = arith.constant 0 : i32
    %sign3A_747 = arith.cmpi sgt, %jit3A_737, %sign3A_746 : i32
    %sign3A_748 = arith.extui %sign3A_747 : i1 to i32
    %sign3A_749 = arith.constant 0 : i32
    %sign3A_750 = arith.cmpi slt, %jit3A_737, %sign3A_749 : i32
    %sign3A_751 = arith.extui %sign3A_750 : i1 to i32
    %sign3A_752 = arith.subi %sign3A_748, %sign3A_751 : i32
    %ne3A_753 = arith.cmpi ne, %sign3A_745, %sign3A_752 : i32
    %rem3A_754 = arith.remsi %add3A_736, %jit3A_737 : i32
    %ne3A_755 = arith.constant 0 : i32
    %ne3A_756 = arith.cmpi ne, %rem3A_754, %ne3A_755 : i32
    %and3A_757 = arith.andi %ne3A_753, %ne3A_756 : i1
    %sub3A_758 = arith.constant 1 : i32
    %sub3A_759 = arith.subi %div3A_738, %sub3A_758 : i32
    %select_n3A_760 = arith.select %and3A_757, %sub3A_759, %div3A_738 : i32
    %jit3A_761 = arith.constant 8 : i32
    %div3A_762 = arith.divsi %add3A_736, %jit3A_761 : i32
    %sign3A_763 = arith.constant 0 : i32
    %sign3A_764 = arith.cmpi sgt, %add3A_736, %sign3A_763 : i32
    %sign3A_765 = arith.extui %sign3A_764 : i1 to i32
    %sign3A_766 = arith.constant 0 : i32
    %sign3A_767 = arith.cmpi slt, %add3A_736, %sign3A_766 : i32
    %sign3A_768 = arith.extui %sign3A_767 : i1 to i32
    %sign3A_769 = arith.subi %sign3A_765, %sign3A_768 : i32
    %sign3A_770 = arith.constant 0 : i32
    %sign3A_771 = arith.cmpi sgt, %jit3A_761, %sign3A_770 : i32
    %sign3A_772 = arith.extui %sign3A_771 : i1 to i32
    %sign3A_773 = arith.constant 0 : i32
    %sign3A_774 = arith.cmpi slt, %jit3A_761, %sign3A_773 : i32
    %sign3A_775 = arith.extui %sign3A_774 : i1 to i32
    %sign3A_776 = arith.subi %sign3A_772, %sign3A_775 : i32
    %ne3A_777 = arith.cmpi ne, %sign3A_769, %sign3A_776 : i32
    %rem3A_778 = arith.remsi %add3A_736, %jit3A_761 : i32
    %ne3A_779 = arith.constant 0 : i32
    %ne3A_780 = arith.cmpi ne, %rem3A_778, %ne3A_779 : i32
    %and3A_781 = arith.andi %ne3A_777, %ne3A_780 : i1
    %sub3A_782 = arith.constant 1 : i32
    %sub3A_783 = arith.subi %div3A_762, %sub3A_782 : i32
    %select_n3A_784 = arith.select %and3A_781, %sub3A_783, %div3A_762 : i32
    %jit3A_785 = arith.constant 15 : i32
    %eq3A_786 = arith.constant 0 : i32
    %eq3A_787 = arith.cmpi eq, %jit3A_785, %eq3A_786 : i32
    %jit3A_788 = arith.constant 1 : i32
    %select_n3A_789 = arith.select %eq3A_787, %jit3A_788, %jit3A_785 : i32
    %rem3A_790 = arith.remsi %select_n3A_784, %select_n3A_789 : i32
    %ne3A_791 = arith.constant 0 : i32
    %ne3A_792 = arith.cmpi ne, %rem3A_790, %ne3A_791 : i32
    %lt3A_793 = arith.constant 0 : i32
    %lt3A_794 = arith.cmpi slt, %rem3A_790, %lt3A_793 : i32
    %lt3A_795 = arith.constant 0 : i32
    %lt3A_796 = arith.cmpi slt, %select_n3A_789, %lt3A_795 : i32
    %ne3A_797 = arith.xori %lt3A_794, %lt3A_796 : i1
    %and3A_798 = arith.andi %ne3A_797, %ne3A_792 : i1
    %add3A_799 = arith.addi %rem3A_790, %select_n3A_789 : i32
    %select_n3A_800 = arith.select %and3A_798, %add3A_799, %rem3A_790 : i32
    %jit3A_801 = arith.constant 8 : i32
    %eq3A_802 = arith.constant 0 : i32
    %eq3A_803 = arith.cmpi eq, %jit3A_801, %eq3A_802 : i32
    %jit3A_804 = arith.constant 1 : i32
    %select_n3A_805 = arith.select %eq3A_803, %jit3A_804, %jit3A_801 : i32
    %rem3A_806 = arith.remsi %add3A_736, %select_n3A_805 : i32
    %ne3A_807 = arith.constant 0 : i32
    %ne3A_808 = arith.cmpi ne, %rem3A_806, %ne3A_807 : i32
    %lt3A_809 = arith.constant 0 : i32
    %lt3A_810 = arith.cmpi slt, %rem3A_806, %lt3A_809 : i32
    %lt3A_811 = arith.constant 0 : i32
    %lt3A_812 = arith.cmpi slt, %select_n3A_805, %lt3A_811 : i32
    %ne3A_813 = arith.xori %lt3A_810, %lt3A_812 : i1
    %and3A_814 = arith.andi %ne3A_813, %ne3A_808 : i1
    %add3A_815 = arith.addi %rem3A_806, %select_n3A_805 : i32
    %select_n3A_816 = arith.select %and3A_814, %add3A_815, %rem3A_806 : i32
    %mul3A_817 = arith.constant 64 : i32
    %mul3A_818 = arith.muli %select_n3A_816, %mul3A_817 : i32
    %dma_start3A_819 = arith.constant 0 : i32
    %dma_start3A_820 = tpu.memref_slice %arg2[%select_n3A_760, %select_n3A_800, %mul3A_818, %dma_start3A_819] : memref<4x15x512x512xf32, #tpu.memory_space<hbm>> -> memref<1x1x64x512xf32, #tpu.memory_space<hbm>>
    %dma_start3A_821 = tpu.memref_squeeze %dma_start3A_820 : memref<1x1x64x512xf32, #tpu.memory_space<hbm>> -> memref<64x512xf32, #tpu.memory_space<hbm>>
    %dma_start3A_822 = arith.constant 0 : i32
    %dma_start3A_823 = tpu.memref_slice %arg2[%select_n3A_760, %select_n3A_800, %mul3A_818, %dma_start3A_822] : memref<4x15x512x512xf32, #tpu.memory_space<hbm>> -> memref<1x1x64x512xf32, #tpu.memory_space<hbm>>
    %dma_start3A_824 = tpu.memref_squeeze %dma_start3A_823 : memref<1x1x64x512xf32, #tpu.memory_space<hbm>> -> memref<64x512xf32, #tpu.memory_space<hbm>>
    tpu.enqueue_dma source(%arg3 : memref<64x512xf32, #tpu.memory_space<vmem>>) target(%dma_start3A_824 : memref<64x512xf32, #tpu.memory_space<hbm>>) target_semaphore(%arg4 : memref<!tpu.dma_semaphore, #tpu.memory_space<semaphore_mem>>)
    %mul3A_825 = arith.constant 15 : i32
    %mul3A_826 = arith.muli %add3A, %mul3A_825 : i32
    %add3A_827 = arith.constant 9 : i32
    %add3A_828 = arith.addi %mul3A_826, %add3A_827 : i32
    %jit3A_829 = arith.constant 120 : i32
    %div3A_830 = arith.divsi %add3A_828, %jit3A_829 : i32
    %sign3A_831 = arith.constant 0 : i32
    %sign3A_832 = arith.cmpi sgt, %add3A_828, %sign3A_831 : i32
    %sign3A_833 = arith.extui %sign3A_832 : i1 to i32
    %sign3A_834 = arith.constant 0 : i32
    %sign3A_835 = arith.cmpi slt, %add3A_828, %sign3A_834 : i32
    %sign3A_836 = arith.extui %sign3A_835 : i1 to i32
    %sign3A_837 = arith.subi %sign3A_833, %sign3A_836 : i32
    %sign3A_838 = arith.constant 0 : i32
    %sign3A_839 = arith.cmpi sgt, %jit3A_829, %sign3A_838 : i32
    %sign3A_840 = arith.extui %sign3A_839 : i1 to i32
    %sign3A_841 = arith.constant 0 : i32
    %sign3A_842 = arith.cmpi slt, %jit3A_829, %sign3A_841 : i32
    %sign3A_843 = arith.extui %sign3A_842 : i1 to i32
    %sign3A_844 = arith.subi %sign3A_840, %sign3A_843 : i32
    %ne3A_845 = arith.cmpi ne, %sign3A_837, %sign3A_844 : i32
    %rem3A_846 = arith.remsi %add3A_828, %jit3A_829 : i32
    %ne3A_847 = arith.constant 0 : i32
    %ne3A_848 = arith.cmpi ne, %rem3A_846, %ne3A_847 : i32
    %and3A_849 = arith.andi %ne3A_845, %ne3A_848 : i1
    %sub3A_850 = arith.constant 1 : i32
    %sub3A_851 = arith.subi %div3A_830, %sub3A_850 : i32
    %select_n3A_852 = arith.select %and3A_849, %sub3A_851, %div3A_830 : i32
    %jit3A_853 = arith.constant 8 : i32
    %div3A_854 = arith.divsi %add3A_828, %jit3A_853 : i32
    %sign3A_855 = arith.constant 0 : i32
    %sign3A_856 = arith.cmpi sgt, %add3A_828, %sign3A_855 : i32
    %sign3A_857 = arith.extui %sign3A_856 : i1 to i32
    %sign3A_858 = arith.constant 0 : i32
    %sign3A_859 = arith.cmpi slt, %add3A_828, %sign3A_858 : i32
    %sign3A_860 = arith.extui %sign3A_859 : i1 to i32
    %sign3A_861 = arith.subi %sign3A_857, %sign3A_860 : i32
    %sign3A_862 = arith.constant 0 : i32
    %sign3A_863 = arith.cmpi sgt, %jit3A_853, %sign3A_862 : i32
    %sign3A_864 = arith.extui %sign3A_863 : i1 to i32
    %sign3A_865 = arith.constant 0 : i32
    %sign3A_866 = arith.cmpi slt, %jit3A_853, %sign3A_865 : i32
    %sign3A_867 = arith.extui %sign3A_866 : i1 to i32
    %sign3A_868 = arith.subi %sign3A_864, %sign3A_867 : i32
    %ne3A_869 = arith.cmpi ne, %sign3A_861, %sign3A_868 : i32
    %rem3A_870 = arith.remsi %add3A_828, %jit3A_853 : i32
    %ne3A_871 = arith.constant 0 : i32
    %ne3A_872 = arith.cmpi ne, %rem3A_870, %ne3A_871 : i32
    %and3A_873 = arith.andi %ne3A_869, %ne3A_872 : i1
    %sub3A_874 = arith.constant 1 : i32
    %sub3A_875 = arith.subi %div3A_854, %sub3A_874 : i32
    %select_n3A_876 = arith.select %and3A_873, %sub3A_875, %div3A_854 : i32
    %jit3A_877 = arith.constant 15 : i32
    %eq3A_878 = arith.constant 0 : i32
    %eq3A_879 = arith.cmpi eq, %jit3A_877, %eq3A_878 : i32
    %jit3A_880 = arith.constant 1 : i32
    %select_n3A_881 = arith.select %eq3A_879, %jit3A_880, %jit3A_877 : i32
    %rem3A_882 = arith.remsi %select_n3A_876, %select_n3A_881 : i32
    %ne3A_883 = arith.constant 0 : i32
    %ne3A_884 = arith.cmpi ne, %rem3A_882, %ne3A_883 : i32
    %lt3A_885 = arith.constant 0 : i32
    %lt3A_886 = arith.cmpi slt, %rem3A_882, %lt3A_885 : i32
    %lt3A_887 = arith.constant 0 : i32
    %lt3A_888 = arith.cmpi slt, %select_n3A_881, %lt3A_887 : i32
    %ne3A_889 = arith.xori %lt3A_886, %lt3A_888 : i1
    %and3A_890 = arith.andi %ne3A_889, %ne3A_884 : i1
    %add3A_891 = arith.addi %rem3A_882, %select_n3A_881 : i32
    %select_n3A_892 = arith.select %and3A_890, %add3A_891, %rem3A_882 : i32
    %jit3A_893 = arith.constant 8 : i32
    %eq3A_894 = arith.constant 0 : i32
    %eq3A_895 = arith.cmpi eq, %jit3A_893, %eq3A_894 : i32
    %jit3A_896 = arith.constant 1 : i32
    %select_n3A_897 = arith.select %eq3A_895, %jit3A_896, %jit3A_893 : i32
    %rem3A_898 = arith.remsi %add3A_828, %select_n3A_897 : i32
    %ne3A_899 = arith.constant 0 : i32
    %ne3A_900 = arith.cmpi ne, %rem3A_898, %ne3A_899 : i32
    %lt3A_901 = arith.constant 0 : i32
    %lt3A_902 = arith.cmpi slt, %rem3A_898, %lt3A_901 : i32
    %lt3A_903 = arith.constant 0 : i32
    %lt3A_904 = arith.cmpi slt, %select_n3A_897, %lt3A_903 : i32
    %ne3A_905 = arith.xori %lt3A_902, %lt3A_904 : i1
    %and3A_906 = arith.andi %ne3A_905, %ne3A_900 : i1
    %add3A_907 = arith.addi %rem3A_898, %select_n3A_897 : i32
    %select_n3A_908 = arith.select %and3A_906, %add3A_907, %rem3A_898 : i32
    %mul3A_909 = arith.constant 64 : i32
    %mul3A_910 = arith.muli %select_n3A_908, %mul3A_909 : i32
    %dma_start3A_911 = arith.constant 0 : i32
    %dma_start3A_912 = tpu.memref_slice %arg2[%select_n3A_852, %select_n3A_892, %mul3A_910, %dma_start3A_911] : memref<4x15x512x512xf32, #tpu.memory_space<hbm>> -> memref<1x1x64x512xf32, #tpu.memory_space<hbm>>
    %dma_start3A_913 = tpu.memref_squeeze %dma_start3A_912 : memref<1x1x64x512xf32, #tpu.memory_space<hbm>> -> memref<64x512xf32, #tpu.memory_space<hbm>>
    %dma_start3A_914 = arith.constant 0 : i32
    %dma_start3A_915 = tpu.memref_slice %arg2[%select_n3A_852, %select_n3A_892, %mul3A_910, %dma_start3A_914] : memref<4x15x512x512xf32, #tpu.memory_space<hbm>> -> memref<1x1x64x512xf32, #tpu.memory_space<hbm>>
    %dma_start3A_916 = tpu.memref_squeeze %dma_start3A_915 : memref<1x1x64x512xf32, #tpu.memory_space<hbm>> -> memref<64x512xf32, #tpu.memory_space<hbm>>
    tpu.enqueue_dma source(%arg3 : memref<64x512xf32, #tpu.memory_space<vmem>>) target(%dma_start3A_916 : memref<64x512xf32, #tpu.memory_space<hbm>>) target_semaphore(%arg4 : memref<!tpu.dma_semaphore, #tpu.memory_space<semaphore_mem>>)
    %mul3A_917 = arith.constant 15 : i32
    %mul3A_918 = arith.muli %add3A, %mul3A_917 : i32
    %add3A_919 = arith.constant 10 : i32
    %add3A_920 = arith.addi %mul3A_918, %add3A_919 : i32
    %jit3A_921 = arith.constant 120 : i32
    %div3A_922 = arith.divsi %add3A_920, %jit3A_921 : i32
    %sign3A_923 = arith.constant 0 : i32
    %sign3A_924 = arith.cmpi sgt, %add3A_920, %sign3A_923 : i32
    %sign3A_925 = arith.extui %sign3A_924 : i1 to i32
    %sign3A_926 = arith.constant 0 : i32
    %sign3A_927 = arith.cmpi slt, %add3A_920, %sign3A_926 : i32
    %sign3A_928 = arith.extui %sign3A_927 : i1 to i32
    %sign3A_929 = arith.subi %sign3A_925, %sign3A_928 : i32
    %sign3A_930 = arith.constant 0 : i32
    %sign3A_931 = arith.cmpi sgt, %jit3A_921, %sign3A_930 : i32
    %sign3A_932 = arith.extui %sign3A_931 : i1 to i32
    %sign3A_933 = arith.constant 0 : i32
    %sign3A_934 = arith.cmpi slt, %jit3A_921, %sign3A_933 : i32
    %sign3A_935 = arith.extui %sign3A_934 : i1 to i32
    %sign3A_936 = arith.subi %sign3A_932, %sign3A_935 : i32
    %ne3A_937 = arith.cmpi ne, %sign3A_929, %sign3A_936 : i32
    %rem3A_938 = arith.remsi %add3A_920, %jit3A_921 : i32
    %ne3A_939 = arith.constant 0 : i32
    %ne3A_940 = arith.cmpi ne, %rem3A_938, %ne3A_939 : i32
    %and3A_941 = arith.andi %ne3A_937, %ne3A_940 : i1
    %sub3A_942 = arith.constant 1 : i32
    %sub3A_943 = arith.subi %div3A_922, %sub3A_942 : i32
    %select_n3A_944 = arith.select %and3A_941, %sub3A_943, %div3A_922 : i32
    %jit3A_945 = arith.constant 8 : i32
    %div3A_946 = arith.divsi %add3A_920, %jit3A_945 : i32
    %sign3A_947 = arith.constant 0 : i32
    %sign3A_948 = arith.cmpi sgt, %add3A_920, %sign3A_947 : i32
    %sign3A_949 = arith.extui %sign3A_948 : i1 to i32
    %sign3A_950 = arith.constant 0 : i32
    %sign3A_951 = arith.cmpi slt, %add3A_920, %sign3A_950 : i32
    %sign3A_952 = arith.extui %sign3A_951 : i1 to i32
    %sign3A_953 = arith.subi %sign3A_949, %sign3A_952 : i32
    %sign3A_954 = arith.constant 0 : i32
    %sign3A_955 = arith.cmpi sgt, %jit3A_945, %sign3A_954 : i32
    %sign3A_956 = arith.extui %sign3A_955 : i1 to i32
    %sign3A_957 = arith.constant 0 : i32
    %sign3A_958 = arith.cmpi slt, %jit3A_945, %sign3A_957 : i32
    %sign3A_959 = arith.extui %sign3A_958 : i1 to i32
    %sign3A_960 = arith.subi %sign3A_956, %sign3A_959 : i32
    %ne3A_961 = arith.cmpi ne, %sign3A_953, %sign3A_960 : i32
    %rem3A_962 = arith.remsi %add3A_920, %jit3A_945 : i32
    %ne3A_963 = arith.constant 0 : i32
    %ne3A_964 = arith.cmpi ne, %rem3A_962, %ne3A_963 : i32
    %and3A_965 = arith.andi %ne3A_961, %ne3A_964 : i1
    %sub3A_966 = arith.constant 1 : i32
    %sub3A_967 = arith.subi %div3A_946, %sub3A_966 : i32
    %select_n3A_968 = arith.select %and3A_965, %sub3A_967, %div3A_946 : i32
    %jit3A_969 = arith.constant 15 : i32
    %eq3A_970 = arith.constant 0 : i32
    %eq3A_971 = arith.cmpi eq, %jit3A_969, %eq3A_970 : i32
    %jit3A_972 = arith.constant 1 : i32
    %select_n3A_973 = arith.select %eq3A_971, %jit3A_972, %jit3A_969 : i32
    %rem3A_974 = arith.remsi %select_n3A_968, %select_n3A_973 : i32
    %ne3A_975 = arith.constant 0 : i32
    %ne3A_976 = arith.cmpi ne, %rem3A_974, %ne3A_975 : i32
    %lt3A_977 = arith.constant 0 : i32
    %lt3A_978 = arith.cmpi slt, %rem3A_974, %lt3A_977 : i32
    %lt3A_979 = arith.constant 0 : i32
    %lt3A_980 = arith.cmpi slt, %select_n3A_973, %lt3A_979 : i32
    %ne3A_981 = arith.xori %lt3A_978, %lt3A_980 : i1
    %and3A_982 = arith.andi %ne3A_981, %ne3A_976 : i1
    %add3A_983 = arith.addi %rem3A_974, %select_n3A_973 : i32
    %select_n3A_984 = arith.select %and3A_982, %add3A_983, %rem3A_974 : i32
    %jit3A_985 = arith.constant 8 : i32
    %eq3A_986 = arith.constant 0 : i32
    %eq3A_987 = arith.cmpi eq, %jit3A_985, %eq3A_986 : i32
    %jit3A_988 = arith.constant 1 : i32
    %select_n3A_989 = arith.select %eq3A_987, %jit3A_988, %jit3A_985 : i32
    %rem3A_990 = arith.remsi %add3A_920, %select_n3A_989 : i32
    %ne3A_991 = arith.constant 0 : i32
    %ne3A_992 = arith.cmpi ne, %rem3A_990, %ne3A_991 : i32
    %lt3A_993 = arith.constant 0 : i32
    %lt3A_994 = arith.cmpi slt, %rem3A_990, %lt3A_993 : i32
    %lt3A_995 = arith.constant 0 : i32
    %lt3A_996 = arith.cmpi slt, %select_n3A_989, %lt3A_995 : i32
    %ne3A_997 = arith.xori %lt3A_994, %lt3A_996 : i1
    %and3A_998 = arith.andi %ne3A_997, %ne3A_992 : i1
    %add3A_999 = arith.addi %rem3A_990, %select_n3A_989 : i32
    %select_n3A_1000 = arith.select %and3A_998, %add3A_999, %rem3A_990 : i32
    %mul3A_1001 = arith.constant 64 : i32
    %mul3A_1002 = arith.muli %select_n3A_1000, %mul3A_1001 : i32
    %dma_start3A_1003 = arith.constant 0 : i32
    %dma_start3A_1004 = tpu.memref_slice %arg2[%select_n3A_944, %select_n3A_984, %mul3A_1002, %dma_start3A_1003] : memref<4x15x512x512xf32, #tpu.memory_space<hbm>> -> memref<1x1x64x512xf32, #tpu.memory_space<hbm>>
    %dma_start3A_1005 = tpu.memref_squeeze %dma_start3A_1004 : memref<1x1x64x512xf32, #tpu.memory_space<hbm>> -> memref<64x512xf32, #tpu.memory_space<hbm>>
    %dma_start3A_1006 = arith.constant 0 : i32
    %dma_start3A_1007 = tpu.memref_slice %arg2[%select_n3A_944, %select_n3A_984, %mul3A_1002, %dma_start3A_1006] : memref<4x15x512x512xf32, #tpu.memory_space<hbm>> -> memref<1x1x64x512xf32, #tpu.memory_space<hbm>>
    %dma_start3A_1008 = tpu.memref_squeeze %dma_start3A_1007 : memref<1x1x64x512xf32, #tpu.memory_space<hbm>> -> memref<64x512xf32, #tpu.memory_space<hbm>>
    tpu.enqueue_dma source(%arg3 : memref<64x512xf32, #tpu.memory_space<vmem>>) target(%dma_start3A_1008 : memref<64x512xf32, #tpu.memory_space<hbm>>) target_semaphore(%arg4 : memref<!tpu.dma_semaphore, #tpu.memory_space<semaphore_mem>>)
    %mul3A_1009 = arith.constant 15 : i32
    %mul3A_1010 = arith.muli %add3A, %mul3A_1009 : i32
    %add3A_1011 = arith.constant 11 : i32
    %add3A_1012 = arith.addi %mul3A_1010, %add3A_1011 : i32
    %jit3A_1013 = arith.constant 120 : i32
    %div3A_1014 = arith.divsi %add3A_1012, %jit3A_1013 : i32
    %sign3A_1015 = arith.constant 0 : i32
    %sign3A_1016 = arith.cmpi sgt, %add3A_1012, %sign3A_1015 : i32
    %sign3A_1017 = arith.extui %sign3A_1016 : i1 to i32
    %sign3A_1018 = arith.constant 0 : i32
    %sign3A_1019 = arith.cmpi slt, %add3A_1012, %sign3A_1018 : i32
    %sign3A_1020 = arith.extui %sign3A_1019 : i1 to i32
    %sign3A_1021 = arith.subi %sign3A_1017, %sign3A_1020 : i32
    %sign3A_1022 = arith.constant 0 : i32
    %sign3A_1023 = arith.cmpi sgt, %jit3A_1013, %sign3A_1022 : i32
    %sign3A_1024 = arith.extui %sign3A_1023 : i1 to i32
    %sign3A_1025 = arith.constant 0 : i32
    %sign3A_1026 = arith.cmpi slt, %jit3A_1013, %sign3A_1025 : i32
    %sign3A_1027 = arith.extui %sign3A_1026 : i1 to i32
    %sign3A_1028 = arith.subi %sign3A_1024, %sign3A_1027 : i32
    %ne3A_1029 = arith.cmpi ne, %sign3A_1021, %sign3A_1028 : i32
    %rem3A_1030 = arith.remsi %add3A_1012, %jit3A_1013 : i32
    %ne3A_1031 = arith.constant 0 : i32
    %ne3A_1032 = arith.cmpi ne, %rem3A_1030, %ne3A_1031 : i32
    %and3A_1033 = arith.andi %ne3A_1029, %ne3A_1032 : i1
    %sub3A_1034 = arith.constant 1 : i32
    %sub3A_1035 = arith.subi %div3A_1014, %sub3A_1034 : i32
    %select_n3A_1036 = arith.select %and3A_1033, %sub3A_1035, %div3A_1014 : i32
    %jit3A_1037 = arith.constant 8 : i32
    %div3A_1038 = arith.divsi %add3A_1012, %jit3A_1037 : i32
    %sign3A_1039 = arith.constant 0 : i32
    %sign3A_1040 = arith.cmpi sgt, %add3A_1012, %sign3A_1039 : i32
    %sign3A_1041 = arith.extui %sign3A_1040 : i1 to i32
    %sign3A_1042 = arith.constant 0 : i32
    %sign3A_1043 = arith.cmpi slt, %add3A_1012, %sign3A_1042 : i32
    %sign3A_1044 = arith.extui %sign3A_1043 : i1 to i32
    %sign3A_1045 = arith.subi %sign3A_1041, %sign3A_1044 : i32
    %sign3A_1046 = arith.constant 0 : i32
    %sign3A_1047 = arith.cmpi sgt, %jit3A_1037, %sign3A_1046 : i32
    %sign3A_1048 = arith.extui %sign3A_1047 : i1 to i32
    %sign3A_1049 = arith.constant 0 : i32
    %sign3A_1050 = arith.cmpi slt, %jit3A_1037, %sign3A_1049 : i32
    %sign3A_1051 = arith.extui %sign3A_1050 : i1 to i32
    %sign3A_1052 = arith.subi %sign3A_1048, %sign3A_1051 : i32
    %ne3A_1053 = arith.cmpi ne, %sign3A_1045, %sign3A_1052 : i32
    %rem3A_1054 = arith.remsi %add3A_1012, %jit3A_1037 : i32
    %ne3A_1055 = arith.constant 0 : i32
    %ne3A_1056 = arith.cmpi ne, %rem3A_1054, %ne3A_1055 : i32
    %and3A_1057 = arith.andi %ne3A_1053, %ne3A_1056 : i1
    %sub3A_1058 = arith.constant 1 : i32
    %sub3A_1059 = arith.subi %div3A_1038, %sub3A_1058 : i32
    %select_n3A_1060 = arith.select %and3A_1057, %sub3A_1059, %div3A_1038 : i32
    %jit3A_1061 = arith.constant 15 : i32
    %eq3A_1062 = arith.constant 0 : i32
    %eq3A_1063 = arith.cmpi eq, %jit3A_1061, %eq3A_1062 : i32
    %jit3A_1064 = arith.constant 1 : i32
    %select_n3A_1065 = arith.select %eq3A_1063, %jit3A_1064, %jit3A_1061 : i32
    %rem3A_1066 = arith.remsi %select_n3A_1060, %select_n3A_1065 : i32
    %ne3A_1067 = arith.constant 0 : i32
    %ne3A_1068 = arith.cmpi ne, %rem3A_1066, %ne3A_1067 : i32
    %lt3A_1069 = arith.constant 0 : i32
    %lt3A_1070 = arith.cmpi slt, %rem3A_1066, %lt3A_1069 : i32
    %lt3A_1071 = arith.constant 0 : i32
    %lt3A_1072 = arith.cmpi slt, %select_n3A_1065, %lt3A_1071 : i32
    %ne3A_1073 = arith.xori %lt3A_1070, %lt3A_1072 : i1
    %and3A_1074 = arith.andi %ne3A_1073, %ne3A_1068 : i1
    %add3A_1075 = arith.addi %rem3A_1066, %select_n3A_1065 : i32
    %select_n3A_1076 = arith.select %and3A_1074, %add3A_1075, %rem3A_1066 : i32
    %jit3A_1077 = arith.constant 8 : i32
    %eq3A_1078 = arith.constant 0 : i32
    %eq3A_1079 = arith.cmpi eq, %jit3A_1077, %eq3A_1078 : i32
    %jit3A_1080 = arith.constant 1 : i32
    %select_n3A_1081 = arith.select %eq3A_1079, %jit3A_1080, %jit3A_1077 : i32
    %rem3A_1082 = arith.remsi %add3A_1012, %select_n3A_1081 : i32
    %ne3A_1083 = arith.constant 0 : i32
    %ne3A_1084 = arith.cmpi ne, %rem3A_1082, %ne3A_1083 : i32
    %lt3A_1085 = arith.constant 0 : i32
    %lt3A_1086 = arith.cmpi slt, %rem3A_1082, %lt3A_1085 : i32
    %lt3A_1087 = arith.constant 0 : i32
    %lt3A_1088 = arith.cmpi slt, %select_n3A_1081, %lt3A_1087 : i32
    %ne3A_1089 = arith.xori %lt3A_1086, %lt3A_1088 : i1
    %and3A_1090 = arith.andi %ne3A_1089, %ne3A_1084 : i1
    %add3A_1091 = arith.addi %rem3A_1082, %select_n3A_1081 : i32
    %select_n3A_1092 = arith.select %and3A_1090, %add3A_1091, %rem3A_1082 : i32
    %mul3A_1093 = arith.constant 64 : i32
    %mul3A_1094 = arith.muli %select_n3A_1092, %mul3A_1093 : i32
    %dma_start3A_1095 = arith.constant 0 : i32
    %dma_start3A_1096 = tpu.memref_slice %arg2[%select_n3A_1036, %select_n3A_1076, %mul3A_1094, %dma_start3A_1095] : memref<4x15x512x512xf32, #tpu.memory_space<hbm>> -> memref<1x1x64x512xf32, #tpu.memory_space<hbm>>
    %dma_start3A_1097 = tpu.memref_squeeze %dma_start3A_1096 : memref<1x1x64x512xf32, #tpu.memory_space<hbm>> -> memref<64x512xf32, #tpu.memory_space<hbm>>
    %dma_start3A_1098 = arith.constant 0 : i32
    %dma_start3A_1099 = tpu.memref_slice %arg2[%select_n3A_1036, %select_n3A_1076, %mul3A_1094, %dma_start3A_1098] : memref<4x15x512x512xf32, #tpu.memory_space<hbm>> -> memref<1x1x64x512xf32, #tpu.memory_space<hbm>>
    %dma_start3A_1100 = tpu.memref_squeeze %dma_start3A_1099 : memref<1x1x64x512xf32, #tpu.memory_space<hbm>> -> memref<64x512xf32, #tpu.memory_space<hbm>>
    tpu.enqueue_dma source(%arg3 : memref<64x512xf32, #tpu.memory_space<vmem>>) target(%dma_start3A_1100 : memref<64x512xf32, #tpu.memory_space<hbm>>) target_semaphore(%arg4 : memref<!tpu.dma_semaphore, #tpu.memory_space<semaphore_mem>>)
    %mul3A_1101 = arith.constant 15 : i32
    %mul3A_1102 = arith.muli %add3A, %mul3A_1101 : i32
    %add3A_1103 = arith.constant 12 : i32
    %add3A_1104 = arith.addi %mul3A_1102, %add3A_1103 : i32
    %jit3A_1105 = arith.constant 120 : i32
    %div3A_1106 = arith.divsi %add3A_1104, %jit3A_1105 : i32
    %sign3A_1107 = arith.constant 0 : i32
    %sign3A_1108 = arith.cmpi sgt, %add3A_1104, %sign3A_1107 : i32
    %sign3A_1109 = arith.extui %sign3A_1108 : i1 to i32
    %sign3A_1110 = arith.constant 0 : i32
    %sign3A_1111 = arith.cmpi slt, %add3A_1104, %sign3A_1110 : i32
    %sign3A_1112 = arith.extui %sign3A_1111 : i1 to i32
    %sign3A_1113 = arith.subi %sign3A_1109, %sign3A_1112 : i32
    %sign3A_1114 = arith.constant 0 : i32
    %sign3A_1115 = arith.cmpi sgt, %jit3A_1105, %sign3A_1114 : i32
    %sign3A_1116 = arith.extui %sign3A_1115 : i1 to i32
    %sign3A_1117 = arith.constant 0 : i32
    %sign3A_1118 = arith.cmpi slt, %jit3A_1105, %sign3A_1117 : i32
    %sign3A_1119 = arith.extui %sign3A_1118 : i1 to i32
    %sign3A_1120 = arith.subi %sign3A_1116, %sign3A_1119 : i32
    %ne3A_1121 = arith.cmpi ne, %sign3A_1113, %sign3A_1120 : i32
    %rem3A_1122 = arith.remsi %add3A_1104, %jit3A_1105 : i32
    %ne3A_1123 = arith.constant 0 : i32
    %ne3A_1124 = arith.cmpi ne, %rem3A_1122, %ne3A_1123 : i32
    %and3A_1125 = arith.andi %ne3A_1121, %ne3A_1124 : i1
    %sub3A_1126 = arith.constant 1 : i32
    %sub3A_1127 = arith.subi %div3A_1106, %sub3A_1126 : i32
    %select_n3A_1128 = arith.select %and3A_1125, %sub3A_1127, %div3A_1106 : i32
    %jit3A_1129 = arith.constant 8 : i32
    %div3A_1130 = arith.divsi %add3A_1104, %jit3A_1129 : i32
    %sign3A_1131 = arith.constant 0 : i32
    %sign3A_1132 = arith.cmpi sgt, %add3A_1104, %sign3A_1131 : i32
    %sign3A_1133 = arith.extui %sign3A_1132 : i1 to i32
    %sign3A_1134 = arith.constant 0 : i32
    %sign3A_1135 = arith.cmpi slt, %add3A_1104, %sign3A_1134 : i32
    %sign3A_1136 = arith.extui %sign3A_1135 : i1 to i32
    %sign3A_1137 = arith.subi %sign3A_1133, %sign3A_1136 : i32
    %sign3A_1138 = arith.constant 0 : i32
    %sign3A_1139 = arith.cmpi sgt, %jit3A_1129, %sign3A_1138 : i32
    %sign3A_1140 = arith.extui %sign3A_1139 : i1 to i32
    %sign3A_1141 = arith.constant 0 : i32
    %sign3A_1142 = arith.cmpi slt, %jit3A_1129, %sign3A_1141 : i32
    %sign3A_1143 = arith.extui %sign3A_1142 : i1 to i32
    %sign3A_1144 = arith.subi %sign3A_1140, %sign3A_1143 : i32
    %ne3A_1145 = arith.cmpi ne, %sign3A_1137, %sign3A_1144 : i32
    %rem3A_1146 = arith.remsi %add3A_1104, %jit3A_1129 : i32
    %ne3A_1147 = arith.constant 0 : i32
    %ne3A_1148 = arith.cmpi ne, %rem3A_1146, %ne3A_1147 : i32
    %and3A_1149 = arith.andi %ne3A_1145, %ne3A_1148 : i1
    %sub3A_1150 = arith.constant 1 : i32
    %sub3A_1151 = arith.subi %div3A_1130, %sub3A_1150 : i32
    %select_n3A_1152 = arith.select %and3A_1149, %sub3A_1151, %div3A_1130 : i32
    %jit3A_1153 = arith.constant 15 : i32
    %eq3A_1154 = arith.constant 0 : i32
    %eq3A_1155 = arith.cmpi eq, %jit3A_1153, %eq3A_1154 : i32
    %jit3A_1156 = arith.constant 1 : i32
    %select_n3A_1157 = arith.select %eq3A_1155, %jit3A_1156, %jit3A_1153 : i32
    %rem3A_1158 = arith.remsi %select_n3A_1152, %select_n3A_1157 : i32
    %ne3A_1159 = arith.constant 0 : i32
    %ne3A_1160 = arith.cmpi ne, %rem3A_1158, %ne3A_1159 : i32
    %lt3A_1161 = arith.constant 0 : i32
    %lt3A_1162 = arith.cmpi slt, %rem3A_1158, %lt3A_1161 : i32
    %lt3A_1163 = arith.constant 0 : i32
    %lt3A_1164 = arith.cmpi slt, %select_n3A_1157, %lt3A_1163 : i32
    %ne3A_1165 = arith.xori %lt3A_1162, %lt3A_1164 : i1
    %and3A_1166 = arith.andi %ne3A_1165, %ne3A_1160 : i1
    %add3A_1167 = arith.addi %rem3A_1158, %select_n3A_1157 : i32
    %select_n3A_1168 = arith.select %and3A_1166, %add3A_1167, %rem3A_1158 : i32
    %jit3A_1169 = arith.constant 8 : i32
    %eq3A_1170 = arith.constant 0 : i32
    %eq3A_1171 = arith.cmpi eq, %jit3A_1169, %eq3A_1170 : i32
    %jit3A_1172 = arith.constant 1 : i32
    %select_n3A_1173 = arith.select %eq3A_1171, %jit3A_1172, %jit3A_1169 : i32
    %rem3A_1174 = arith.remsi %add3A_1104, %select_n3A_1173 : i32
    %ne3A_1175 = arith.constant 0 : i32
    %ne3A_1176 = arith.cmpi ne, %rem3A_1174, %ne3A_1175 : i32
    %lt3A_1177 = arith.constant 0 : i32
    %lt3A_1178 = arith.cmpi slt, %rem3A_1174, %lt3A_1177 : i32
    %lt3A_1179 = arith.constant 0 : i32
    %lt3A_1180 = arith.cmpi slt, %select_n3A_1173, %lt3A_1179 : i32
    %ne3A_1181 = arith.xori %lt3A_1178, %lt3A_1180 : i1
    %and3A_1182 = arith.andi %ne3A_1181, %ne3A_1176 : i1
    %add3A_1183 = arith.addi %rem3A_1174, %select_n3A_1173 : i32
    %select_n3A_1184 = arith.select %and3A_1182, %add3A_1183, %rem3A_1174 : i32
    %mul3A_1185 = arith.constant 64 : i32
    %mul3A_1186 = arith.muli %select_n3A_1184, %mul3A_1185 : i32
    %dma_start3A_1187 = arith.constant 0 : i32
    %dma_start3A_1188 = tpu.memref_slice %arg2[%select_n3A_1128, %select_n3A_1168, %mul3A_1186, %dma_start3A_1187] : memref<4x15x512x512xf32, #tpu.memory_space<hbm>> -> memref<1x1x64x512xf32, #tpu.memory_space<hbm>>
    %dma_start3A_1189 = tpu.memref_squeeze %dma_start3A_1188 : memref<1x1x64x512xf32, #tpu.memory_space<hbm>> -> memref<64x512xf32, #tpu.memory_space<hbm>>
    %dma_start3A_1190 = arith.constant 0 : i32
    %dma_start3A_1191 = tpu.memref_slice %arg2[%select_n3A_1128, %select_n3A_1168, %mul3A_1186, %dma_start3A_1190] : memref<4x15x512x512xf32, #tpu.memory_space<hbm>> -> memref<1x1x64x512xf32, #tpu.memory_space<hbm>>
    %dma_start3A_1192 = tpu.memref_squeeze %dma_start3A_1191 : memref<1x1x64x512xf32, #tpu.memory_space<hbm>> -> memref<64x512xf32, #tpu.memory_space<hbm>>
    tpu.enqueue_dma source(%arg3 : memref<64x512xf32, #tpu.memory_space<vmem>>) target(%dma_start3A_1192 : memref<64x512xf32, #tpu.memory_space<hbm>>) target_semaphore(%arg4 : memref<!tpu.dma_semaphore, #tpu.memory_space<semaphore_mem>>)
    %mul3A_1193 = arith.constant 15 : i32
    %mul3A_1194 = arith.muli %add3A, %mul3A_1193 : i32
    %add3A_1195 = arith.constant 13 : i32
    %add3A_1196 = arith.addi %mul3A_1194, %add3A_1195 : i32
    %jit3A_1197 = arith.constant 120 : i32
    %div3A_1198 = arith.divsi %add3A_1196, %jit3A_1197 : i32
    %sign3A_1199 = arith.constant 0 : i32
    %sign3A_1200 = arith.cmpi sgt, %add3A_1196, %sign3A_1199 : i32
    %sign3A_1201 = arith.extui %sign3A_1200 : i1 to i32
    %sign3A_1202 = arith.constant 0 : i32
    %sign3A_1203 = arith.cmpi slt, %add3A_1196, %sign3A_1202 : i32
    %sign3A_1204 = arith.extui %sign3A_1203 : i1 to i32
    %sign3A_1205 = arith.subi %sign3A_1201, %sign3A_1204 : i32
    %sign3A_1206 = arith.constant 0 : i32
    %sign3A_1207 = arith.cmpi sgt, %jit3A_1197, %sign3A_1206 : i32
    %sign3A_1208 = arith.extui %sign3A_1207 : i1 to i32
    %sign3A_1209 = arith.constant 0 : i32
    %sign3A_1210 = arith.cmpi slt, %jit3A_1197, %sign3A_1209 : i32
    %sign3A_1211 = arith.extui %sign3A_1210 : i1 to i32
    %sign3A_1212 = arith.subi %sign3A_1208, %sign3A_1211 : i32
    %ne3A_1213 = arith.cmpi ne, %sign3A_1205, %sign3A_1212 : i32
    %rem3A_1214 = arith.remsi %add3A_1196, %jit3A_1197 : i32
    %ne3A_1215 = arith.constant 0 : i32
    %ne3A_1216 = arith.cmpi ne, %rem3A_1214, %ne3A_1215 : i32
    %and3A_1217 = arith.andi %ne3A_1213, %ne3A_1216 : i1
    %sub3A_1218 = arith.constant 1 : i32
    %sub3A_1219 = arith.subi %div3A_1198, %sub3A_1218 : i32
    %select_n3A_1220 = arith.select %and3A_1217, %sub3A_1219, %div3A_1198 : i32
    %jit3A_1221 = arith.constant 8 : i32
    %div3A_1222 = arith.divsi %add3A_1196, %jit3A_1221 : i32
    %sign3A_1223 = arith.constant 0 : i32
    %sign3A_1224 = arith.cmpi sgt, %add3A_1196, %sign3A_1223 : i32
    %sign3A_1225 = arith.extui %sign3A_1224 : i1 to i32
    %sign3A_1226 = arith.constant 0 : i32
    %sign3A_1227 = arith.cmpi slt, %add3A_1196, %sign3A_1226 : i32
    %sign3A_1228 = arith.extui %sign3A_1227 : i1 to i32
    %sign3A_1229 = arith.subi %sign3A_1225, %sign3A_1228 : i32
    %sign3A_1230 = arith.constant 0 : i32
    %sign3A_1231 = arith.cmpi sgt, %jit3A_1221, %sign3A_1230 : i32
    %sign3A_1232 = arith.extui %sign3A_1231 : i1 to i32
    %sign3A_1233 = arith.constant 0 : i32
    %sign3A_1234 = arith.cmpi slt, %jit3A_1221, %sign3A_1233 : i32
    %sign3A_1235 = arith.extui %sign3A_1234 : i1 to i32
    %sign3A_1236 = arith.subi %sign3A_1232, %sign3A_1235 : i32
    %ne3A_1237 = arith.cmpi ne, %sign3A_1229, %sign3A_1236 : i32
    %rem3A_1238 = arith.remsi %add3A_1196, %jit3A_1221 : i32
    %ne3A_1239 = arith.constant 0 : i32
    %ne3A_1240 = arith.cmpi ne, %rem3A_1238, %ne3A_1239 : i32
    %and3A_1241 = arith.andi %ne3A_1237, %ne3A_1240 : i1
    %sub3A_1242 = arith.constant 1 : i32
    %sub3A_1243 = arith.subi %div3A_1222, %sub3A_1242 : i32
    %select_n3A_1244 = arith.select %and3A_1241, %sub3A_1243, %div3A_1222 : i32
    %jit3A_1245 = arith.constant 15 : i32
    %eq3A_1246 = arith.constant 0 : i32
    %eq3A_1247 = arith.cmpi eq, %jit3A_1245, %eq3A_1246 : i32
    %jit3A_1248 = arith.constant 1 : i32
    %select_n3A_1249 = arith.select %eq3A_1247, %jit3A_1248, %jit3A_1245 : i32
    %rem3A_1250 = arith.remsi %select_n3A_1244, %select_n3A_1249 : i32
    %ne3A_1251 = arith.constant 0 : i32
    %ne3A_1252 = arith.cmpi ne, %rem3A_1250, %ne3A_1251 : i32
    %lt3A_1253 = arith.constant 0 : i32
    %lt3A_1254 = arith.cmpi slt, %rem3A_1250, %lt3A_1253 : i32
    %lt3A_1255 = arith.constant 0 : i32
    %lt3A_1256 = arith.cmpi slt, %select_n3A_1249, %lt3A_1255 : i32
    %ne3A_1257 = arith.xori %lt3A_1254, %lt3A_1256 : i1
    %and3A_1258 = arith.andi %ne3A_1257, %ne3A_1252 : i1
    %add3A_1259 = arith.addi %rem3A_1250, %select_n3A_1249 : i32
    %select_n3A_1260 = arith.select %and3A_1258, %add3A_1259, %rem3A_1250 : i32
    %jit3A_1261 = arith.constant 8 : i32
    %eq3A_1262 = arith.constant 0 : i32
    %eq3A_1263 = arith.cmpi eq, %jit3A_1261, %eq3A_1262 : i32
    %jit3A_1264 = arith.constant 1 : i32
    %select_n3A_1265 = arith.select %eq3A_1263, %jit3A_1264, %jit3A_1261 : i32
    %rem3A_1266 = arith.remsi %add3A_1196, %select_n3A_1265 : i32
    %ne3A_1267 = arith.constant 0 : i32
    %ne3A_1268 = arith.cmpi ne, %rem3A_1266, %ne3A_1267 : i32
    %lt3A_1269 = arith.constant 0 : i32
    %lt3A_1270 = arith.cmpi slt, %rem3A_1266, %lt3A_1269 : i32
    %lt3A_1271 = arith.constant 0 : i32
    %lt3A_1272 = arith.cmpi slt, %select_n3A_1265, %lt3A_1271 : i32
    %ne3A_1273 = arith.xori %lt3A_1270, %lt3A_1272 : i1
    %and3A_1274 = arith.andi %ne3A_1273, %ne3A_1268 : i1
    %add3A_1275 = arith.addi %rem3A_1266, %select_n3A_1265 : i32
    %select_n3A_1276 = arith.select %and3A_1274, %add3A_1275, %rem3A_1266 : i32
    %mul3A_1277 = arith.constant 64 : i32
    %mul3A_1278 = arith.muli %select_n3A_1276, %mul3A_1277 : i32
    %dma_start3A_1279 = arith.constant 0 : i32
    %dma_start3A_1280 = tpu.memref_slice %arg2[%select_n3A_1220, %select_n3A_1260, %mul3A_1278, %dma_start3A_1279] : memref<4x15x512x512xf32, #tpu.memory_space<hbm>> -> memref<1x1x64x512xf32, #tpu.memory_space<hbm>>
    %dma_start3A_1281 = tpu.memref_squeeze %dma_start3A_1280 : memref<1x1x64x512xf32, #tpu.memory_space<hbm>> -> memref<64x512xf32, #tpu.memory_space<hbm>>
    %dma_start3A_1282 = arith.constant 0 : i32
    %dma_start3A_1283 = tpu.memref_slice %arg2[%select_n3A_1220, %select_n3A_1260, %mul3A_1278, %dma_start3A_1282] : memref<4x15x512x512xf32, #tpu.memory_space<hbm>> -> memref<1x1x64x512xf32, #tpu.memory_space<hbm>>
    %dma_start3A_1284 = tpu.memref_squeeze %dma_start3A_1283 : memref<1x1x64x512xf32, #tpu.memory_space<hbm>> -> memref<64x512xf32, #tpu.memory_space<hbm>>
    tpu.enqueue_dma source(%arg3 : memref<64x512xf32, #tpu.memory_space<vmem>>) target(%dma_start3A_1284 : memref<64x512xf32, #tpu.memory_space<hbm>>) target_semaphore(%arg4 : memref<!tpu.dma_semaphore, #tpu.memory_space<semaphore_mem>>)
    %mul3A_1285 = arith.constant 15 : i32
    %mul3A_1286 = arith.muli %add3A, %mul3A_1285 : i32
    %add3A_1287 = arith.constant 14 : i32
    %add3A_1288 = arith.addi %mul3A_1286, %add3A_1287 : i32
    %jit3A_1289 = arith.constant 120 : i32
    %div3A_1290 = arith.divsi %add3A_1288, %jit3A_1289 : i32
    %sign3A_1291 = arith.constant 0 : i32
    %sign3A_1292 = arith.cmpi sgt, %add3A_1288, %sign3A_1291 : i32
    %sign3A_1293 = arith.extui %sign3A_1292 : i1 to i32
    %sign3A_1294 = arith.constant 0 : i32
    %sign3A_1295 = arith.cmpi slt, %add3A_1288, %sign3A_1294 : i32
    %sign3A_1296 = arith.extui %sign3A_1295 : i1 to i32
    %sign3A_1297 = arith.subi %sign3A_1293, %sign3A_1296 : i32
    %sign3A_1298 = arith.constant 0 : i32
    %sign3A_1299 = arith.cmpi sgt, %jit3A_1289, %sign3A_1298 : i32
    %sign3A_1300 = arith.extui %sign3A_1299 : i1 to i32
    %sign3A_1301 = arith.constant 0 : i32
    %sign3A_1302 = arith.cmpi slt, %jit3A_1289, %sign3A_1301 : i32
    %sign3A_1303 = arith.extui %sign3A_1302 : i1 to i32
    %sign3A_1304 = arith.subi %sign3A_1300, %sign3A_1303 : i32
    %ne3A_1305 = arith.cmpi ne, %sign3A_1297, %sign3A_1304 : i32
    %rem3A_1306 = arith.remsi %add3A_1288, %jit3A_1289 : i32
    %ne3A_1307 = arith.constant 0 : i32
    %ne3A_1308 = arith.cmpi ne, %rem3A_1306, %ne3A_1307 : i32
    %and3A_1309 = arith.andi %ne3A_1305, %ne3A_1308 : i1
    %sub3A_1310 = arith.constant 1 : i32
    %sub3A_1311 = arith.subi %div3A_1290, %sub3A_1310 : i32
    %select_n3A_1312 = arith.select %and3A_1309, %sub3A_1311, %div3A_1290 : i32
    %jit3A_1313 = arith.constant 8 : i32
    %div3A_1314 = arith.divsi %add3A_1288, %jit3A_1313 : i32
    %sign3A_1315 = arith.constant 0 : i32
    %sign3A_1316 = arith.cmpi sgt, %add3A_1288, %sign3A_1315 : i32
    %sign3A_1317 = arith.extui %sign3A_1316 : i1 to i32
    %sign3A_1318 = arith.constant 0 : i32
    %sign3A_1319 = arith.cmpi slt, %add3A_1288, %sign3A_1318 : i32
    %sign3A_1320 = arith.extui %sign3A_1319 : i1 to i32
    %sign3A_1321 = arith.subi %sign3A_1317, %sign3A_1320 : i32
    %sign3A_1322 = arith.constant 0 : i32
    %sign3A_1323 = arith.cmpi sgt, %jit3A_1313, %sign3A_1322 : i32
    %sign3A_1324 = arith.extui %sign3A_1323 : i1 to i32
    %sign3A_1325 = arith.constant 0 : i32
    %sign3A_1326 = arith.cmpi slt, %jit3A_1313, %sign3A_1325 : i32
    %sign3A_1327 = arith.extui %sign3A_1326 : i1 to i32
    %sign3A_1328 = arith.subi %sign3A_1324, %sign3A_1327 : i32
    %ne3A_1329 = arith.cmpi ne, %sign3A_1321, %sign3A_1328 : i32
    %rem3A_1330 = arith.remsi %add3A_1288, %jit3A_1313 : i32
    %ne3A_1331 = arith.constant 0 : i32
    %ne3A_1332 = arith.cmpi ne, %rem3A_1330, %ne3A_1331 : i32
    %and3A_1333 = arith.andi %ne3A_1329, %ne3A_1332 : i1
    %sub3A_1334 = arith.constant 1 : i32
    %sub3A_1335 = arith.subi %div3A_1314, %sub3A_1334 : i32
    %select_n3A_1336 = arith.select %and3A_1333, %sub3A_1335, %div3A_1314 : i32
    %jit3A_1337 = arith.constant 15 : i32
    %eq3A_1338 = arith.constant 0 : i32
    %eq3A_1339 = arith.cmpi eq, %jit3A_1337, %eq3A_1338 : i32
    %jit3A_1340 = arith.constant 1 : i32
    %select_n3A_1341 = arith.select %eq3A_1339, %jit3A_1340, %jit3A_1337 : i32
    %rem3A_1342 = arith.remsi %select_n3A_1336, %select_n3A_1341 : i32
    %ne3A_1343 = arith.constant 0 : i32
    %ne3A_1344 = arith.cmpi ne, %rem3A_1342, %ne3A_1343 : i32
    %lt3A_1345 = arith.constant 0 : i32
    %lt3A_1346 = arith.cmpi slt, %rem3A_1342, %lt3A_1345 : i32
    %lt3A_1347 = arith.constant 0 : i32
    %lt3A_1348 = arith.cmpi slt, %select_n3A_1341, %lt3A_1347 : i32
    %ne3A_1349 = arith.xori %lt3A_1346, %lt3A_1348 : i1
    %and3A_1350 = arith.andi %ne3A_1349, %ne3A_1344 : i1
    %add3A_1351 = arith.addi %rem3A_1342, %select_n3A_1341 : i32
    %select_n3A_1352 = arith.select %and3A_1350, %add3A_1351, %rem3A_1342 : i32
    %jit3A_1353 = arith.constant 8 : i32
    %eq3A_1354 = arith.constant 0 : i32
    %eq3A_1355 = arith.cmpi eq, %jit3A_1353, %eq3A_1354 : i32
    %jit3A_1356 = arith.constant 1 : i32
    %select_n3A_1357 = arith.select %eq3A_1355, %jit3A_1356, %jit3A_1353 : i32
    %rem3A_1358 = arith.remsi %add3A_1288, %select_n3A_1357 : i32
    %ne3A_1359 = arith.constant 0 : i32
    %ne3A_1360 = arith.cmpi ne, %rem3A_1358, %ne3A_1359 : i32
    %lt3A_1361 = arith.constant 0 : i32
    %lt3A_1362 = arith.cmpi slt, %rem3A_1358, %lt3A_1361 : i32
    %lt3A_1363 = arith.constant 0 : i32
    %lt3A_1364 = arith.cmpi slt, %select_n3A_1357, %lt3A_1363 : i32
    %ne3A_1365 = arith.xori %lt3A_1362, %lt3A_1364 : i1
    %and3A_1366 = arith.andi %ne3A_1365, %ne3A_1360 : i1
    %add3A_1367 = arith.addi %rem3A_1358, %select_n3A_1357 : i32
    %select_n3A_1368 = arith.select %and3A_1366, %add3A_1367, %rem3A_1358 : i32
    %mul3A_1369 = arith.constant 64 : i32
    %mul3A_1370 = arith.muli %select_n3A_1368, %mul3A_1369 : i32
    %dma_start3A_1371 = arith.constant 0 : i32
    %dma_start3A_1372 = tpu.memref_slice %arg2[%select_n3A_1312, %select_n3A_1352, %mul3A_1370, %dma_start3A_1371] : memref<4x15x512x512xf32, #tpu.memory_space<hbm>> -> memref<1x1x64x512xf32, #tpu.memory_space<hbm>>
    %dma_start3A_1373 = tpu.memref_squeeze %dma_start3A_1372 : memref<1x1x64x512xf32, #tpu.memory_space<hbm>> -> memref<64x512xf32, #tpu.memory_space<hbm>>
    %dma_start3A_1374 = arith.constant 0 : i32
    %dma_start3A_1375 = tpu.memref_slice %arg2[%select_n3A_1312, %select_n3A_1352, %mul3A_1370, %dma_start3A_1374] : memref<4x15x512x512xf32, #tpu.memory_space<hbm>> -> memref<1x1x64x512xf32, #tpu.memory_space<hbm>>
    %dma_start3A_1376 = tpu.memref_squeeze %dma_start3A_1375 : memref<1x1x64x512xf32, #tpu.memory_space<hbm>> -> memref<64x512xf32, #tpu.memory_space<hbm>>
    tpu.enqueue_dma source(%arg3 : memref<64x512xf32, #tpu.memory_space<vmem>>) target(%dma_start3A_1376 : memref<64x512xf32, #tpu.memory_space<hbm>>) target_semaphore(%arg4 : memref<!tpu.dma_semaphore, #tpu.memory_space<semaphore_mem>>)
    %dma_wait3A = arith.constant 0 : i32
    %dma_wait3A_1377 = tpu.memref_slice %arg2[%select_n3A, %select_n3A_65, %mul3A_83, %dma_wait3A] : memref<4x15x512x512xf32, #tpu.memory_space<hbm>> -> memref<1x1x64x512xf32, #tpu.memory_space<hbm>>
    %dma_wait3A_1378 = tpu.memref_squeeze %dma_wait3A_1377 : memref<1x1x64x512xf32, #tpu.memory_space<hbm>> -> memref<64x512xf32, #tpu.memory_space<hbm>>
    %dma_wait3A_1379 = arith.constant 0 : i32
    %dma_wait3A_1380 = tpu.memref_slice %arg2[%select_n3A, %select_n3A_65, %mul3A_83, %dma_wait3A_1379] : memref<4x15x512x512xf32, #tpu.memory_space<hbm>> -> memref<1x1x64x512xf32, #tpu.memory_space<hbm>>
    %dma_wait3A_1381 = tpu.memref_squeeze %dma_wait3A_1380 : memref<1x1x64x512xf32, #tpu.memory_space<hbm>> -> memref<64x512xf32, #tpu.memory_space<hbm>>
    tpu.wait_dma2 semaphore(%arg4 : memref<!tpu.dma_semaphore, #tpu.memory_space<semaphore_mem>>) src(%arg3 : memref<64x512xf32, #tpu.memory_space<vmem>>) dst(%dma_wait3A_1381 : memref<64x512xf32, #tpu.memory_space<hbm>>)
    %dma_wait3A_1382 = arith.constant 0 : i32
    %dma_wait3A_1383 = tpu.memref_slice %arg2[%select_n3A_116, %select_n3A_156, %mul3A_174, %dma_wait3A_1382] : memref<4x15x512x512xf32, #tpu.memory_space<hbm>> -> memref<1x1x64x512xf32, #tpu.memory_space<hbm>>
    %dma_wait3A_1384 = tpu.memref_squeeze %dma_wait3A_1383 : memref<1x1x64x512xf32, #tpu.memory_space<hbm>> -> memref<64x512xf32, #tpu.memory_space<hbm>>
    %dma_wait3A_1385 = arith.constant 0 : i32
    %dma_wait3A_1386 = tpu.memref_slice %arg2[%select_n3A_116, %select_n3A_156, %mul3A_174, %dma_wait3A_1385] : memref<4x15x512x512xf32, #tpu.memory_space<hbm>> -> memref<1x1x64x512xf32, #tpu.memory_space<hbm>>
    %dma_wait3A_1387 = tpu.memref_squeeze %dma_wait3A_1386 : memref<1x1x64x512xf32, #tpu.memory_space<hbm>> -> memref<64x512xf32, #tpu.memory_space<hbm>>
    tpu.wait_dma2 semaphore(%arg4 : memref<!tpu.dma_semaphore, #tpu.memory_space<semaphore_mem>>) src(%arg3 : memref<64x512xf32, #tpu.memory_space<vmem>>) dst(%dma_wait3A_1387 : memref<64x512xf32, #tpu.memory_space<hbm>>)
    %dma_wait3A_1388 = arith.constant 0 : i32
    %dma_wait3A_1389 = tpu.memref_slice %arg2[%select_n3A_208, %select_n3A_248, %mul3A_266, %dma_wait3A_1388] : memref<4x15x512x512xf32, #tpu.memory_space<hbm>> -> memref<1x1x64x512xf32, #tpu.memory_space<hbm>>
    %dma_wait3A_1390 = tpu.memref_squeeze %dma_wait3A_1389 : memref<1x1x64x512xf32, #tpu.memory_space<hbm>> -> memref<64x512xf32, #tpu.memory_space<hbm>>
    %dma_wait3A_1391 = arith.constant 0 : i32
    %dma_wait3A_1392 = tpu.memref_slice %arg2[%select_n3A_208, %select_n3A_248, %mul3A_266, %dma_wait3A_1391] : memref<4x15x512x512xf32, #tpu.memory_space<hbm>> -> memref<1x1x64x512xf32, #tpu.memory_space<hbm>>
    %dma_wait3A_1393 = tpu.memref_squeeze %dma_wait3A_1392 : memref<1x1x64x512xf32, #tpu.memory_space<hbm>> -> memref<64x512xf32, #tpu.memory_space<hbm>>
    tpu.wait_dma2 semaphore(%arg4 : memref<!tpu.dma_semaphore, #tpu.memory_space<semaphore_mem>>) src(%arg3 : memref<64x512xf32, #tpu.memory_space<vmem>>) dst(%dma_wait3A_1393 : memref<64x512xf32, #tpu.memory_space<hbm>>)
    %dma_wait3A_1394 = arith.constant 0 : i32
    %dma_wait3A_1395 = tpu.memref_slice %arg2[%select_n3A_300, %select_n3A_340, %mul3A_358, %dma_wait3A_1394] : memref<4x15x512x512xf32, #tpu.memory_space<hbm>> -> memref<1x1x64x512xf32, #tpu.memory_space<hbm>>
    %dma_wait3A_1396 = tpu.memref_squeeze %dma_wait3A_1395 : memref<1x1x64x512xf32, #tpu.memory_space<hbm>> -> memref<64x512xf32, #tpu.memory_space<hbm>>
    %dma_wait3A_1397 = arith.constant 0 : i32
    %dma_wait3A_1398 = tpu.memref_slice %arg2[%select_n3A_300, %select_n3A_340, %mul3A_358, %dma_wait3A_1397] : memref<4x15x512x512xf32, #tpu.memory_space<hbm>> -> memref<1x1x64x512xf32, #tpu.memory_space<hbm>>
    %dma_wait3A_1399 = tpu.memref_squeeze %dma_wait3A_1398 : memref<1x1x64x512xf32, #tpu.memory_space<hbm>> -> memref<64x512xf32, #tpu.memory_space<hbm>>
    tpu.wait_dma2 semaphore(%arg4 : memref<!tpu.dma_semaphore, #tpu.memory_space<semaphore_mem>>) src(%arg3 : memref<64x512xf32, #tpu.memory_space<vmem>>) dst(%dma_wait3A_1399 : memref<64x512xf32, #tpu.memory_space<hbm>>)
    %dma_wait3A_1400 = arith.constant 0 : i32
    %dma_wait3A_1401 = tpu.memref_slice %arg2[%select_n3A_392, %select_n3A_432, %mul3A_450, %dma_wait3A_1400] : memref<4x15x512x512xf32, #tpu.memory_space<hbm>> -> memref<1x1x64x512xf32, #tpu.memory_space<hbm>>
    %dma_wait3A_1402 = tpu.memref_squeeze %dma_wait3A_1401 : memref<1x1x64x512xf32, #tpu.memory_space<hbm>> -> memref<64x512xf32, #tpu.memory_space<hbm>>
    %dma_wait3A_1403 = arith.constant 0 : i32
    %dma_wait3A_1404 = tpu.memref_slice %arg2[%select_n3A_392, %select_n3A_432, %mul3A_450, %dma_wait3A_1403] : memref<4x15x512x512xf32, #tpu.memory_space<hbm>> -> memref<1x1x64x512xf32, #tpu.memory_space<hbm>>
    %dma_wait3A_1405 = tpu.memref_squeeze %dma_wait3A_1404 : memref<1x1x64x512xf32, #tpu.memory_space<hbm>> -> memref<64x512xf32, #tpu.memory_space<hbm>>
    tpu.wait_dma2 semaphore(%arg4 : memref<!tpu.dma_semaphore, #tpu.memory_space<semaphore_mem>>) src(%arg3 : memref<64x512xf32, #tpu.memory_space<vmem>>) dst(%dma_wait3A_1405 : memref<64x512xf32, #tpu.memory_space<hbm>>)
    %dma_wait3A_1406 = arith.constant 0 : i32
    %dma_wait3A_1407 = tpu.memref_slice %arg2[%select_n3A_484, %select_n3A_524, %mul3A_542, %dma_wait3A_1406] : memref<4x15x512x512xf32, #tpu.memory_space<hbm>> -> memref<1x1x64x512xf32, #tpu.memory_space<hbm>>
    %dma_wait3A_1408 = tpu.memref_squeeze %dma_wait3A_1407 : memref<1x1x64x512xf32, #tpu.memory_space<hbm>> -> memref<64x512xf32, #tpu.memory_space<hbm>>
    %dma_wait3A_1409 = arith.constant 0 : i32
    %dma_wait3A_1410 = tpu.memref_slice %arg2[%select_n3A_484, %select_n3A_524, %mul3A_542, %dma_wait3A_1409] : memref<4x15x512x512xf32, #tpu.memory_space<hbm>> -> memref<1x1x64x512xf32, #tpu.memory_space<hbm>>
    %dma_wait3A_1411 = tpu.memref_squeeze %dma_wait3A_1410 : memref<1x1x64x512xf32, #tpu.memory_space<hbm>> -> memref<64x512xf32, #tpu.memory_space<hbm>>
    tpu.wait_dma2 semaphore(%arg4 : memref<!tpu.dma_semaphore, #tpu.memory_space<semaphore_mem>>) src(%arg3 : memref<64x512xf32, #tpu.memory_space<vmem>>) dst(%dma_wait3A_1411 : memref<64x512xf32, #tpu.memory_space<hbm>>)
    %dma_wait3A_1412 = arith.constant 0 : i32
    %dma_wait3A_1413 = tpu.memref_slice %arg2[%select_n3A_576, %select_n3A_616, %mul3A_634, %dma_wait3A_1412] : memref<4x15x512x512xf32, #tpu.memory_space<hbm>> -> memref<1x1x64x512xf32, #tpu.memory_space<hbm>>
    %dma_wait3A_1414 = tpu.memref_squeeze %dma_wait3A_1413 : memref<1x1x64x512xf32, #tpu.memory_space<hbm>> -> memref<64x512xf32, #tpu.memory_space<hbm>>
    %dma_wait3A_1415 = arith.constant 0 : i32
    %dma_wait3A_1416 = tpu.memref_slice %arg2[%select_n3A_576, %select_n3A_616, %mul3A_634, %dma_wait3A_1415] : memref<4x15x512x512xf32, #tpu.memory_space<hbm>> -> memref<1x1x64x512xf32, #tpu.memory_space<hbm>>
    %dma_wait3A_1417 = tpu.memref_squeeze %dma_wait3A_1416 : memref<1x1x64x512xf32, #tpu.memory_space<hbm>> -> memref<64x512xf32, #tpu.memory_space<hbm>>
    tpu.wait_dma2 semaphore(%arg4 : memref<!tpu.dma_semaphore, #tpu.memory_space<semaphore_mem>>) src(%arg3 : memref<64x512xf32, #tpu.memory_space<vmem>>) dst(%dma_wait3A_1417 : memref<64x512xf32, #tpu.memory_space<hbm>>)
    %dma_wait3A_1418 = arith.constant 0 : i32
    %dma_wait3A_1419 = tpu.memref_slice %arg2[%select_n3A_668, %select_n3A_708, %mul3A_726, %dma_wait3A_1418] : memref<4x15x512x512xf32, #tpu.memory_space<hbm>> -> memref<1x1x64x512xf32, #tpu.memory_space<hbm>>
    %dma_wait3A_1420 = tpu.memref_squeeze %dma_wait3A_1419 : memref<1x1x64x512xf32, #tpu.memory_space<hbm>> -> memref<64x512xf32, #tpu.memory_space<hbm>>
    %dma_wait3A_1421 = arith.constant 0 : i32
    %dma_wait3A_1422 = tpu.memref_slice %arg2[%select_n3A_668, %select_n3A_708, %mul3A_726, %dma_wait3A_1421] : memref<4x15x512x512xf32, #tpu.memory_space<hbm>> -> memref<1x1x64x512xf32, #tpu.memory_space<hbm>>
    %dma_wait3A_1423 = tpu.memref_squeeze %dma_wait3A_1422 : memref<1x1x64x512xf32, #tpu.memory_space<hbm>> -> memref<64x512xf32, #tpu.memory_space<hbm>>
    tpu.wait_dma2 semaphore(%arg4 : memref<!tpu.dma_semaphore, #tpu.memory_space<semaphore_mem>>) src(%arg3 : memref<64x512xf32, #tpu.memory_space<vmem>>) dst(%dma_wait3A_1423 : memref<64x512xf32, #tpu.memory_space<hbm>>)
    %dma_wait3A_1424 = arith.constant 0 : i32
    %dma_wait3A_1425 = tpu.memref_slice %arg2[%select_n3A_760, %select_n3A_800, %mul3A_818, %dma_wait3A_1424] : memref<4x15x512x512xf32, #tpu.memory_space<hbm>> -> memref<1x1x64x512xf32, #tpu.memory_space<hbm>>
    %dma_wait3A_1426 = tpu.memref_squeeze %dma_wait3A_1425 : memref<1x1x64x512xf32, #tpu.memory_space<hbm>> -> memref<64x512xf32, #tpu.memory_space<hbm>>
    %dma_wait3A_1427 = arith.constant 0 : i32
    %dma_wait3A_1428 = tpu.memref_slice %arg2[%select_n3A_760, %select_n3A_800, %mul3A_818, %dma_wait3A_1427] : memref<4x15x512x512xf32, #tpu.memory_space<hbm>> -> memref<1x1x64x512xf32, #tpu.memory_space<hbm>>
    %dma_wait3A_1429 = tpu.memref_squeeze %dma_wait3A_1428 : memref<1x1x64x512xf32, #tpu.memory_space<hbm>> -> memref<64x512xf32, #tpu.memory_space<hbm>>
    tpu.wait_dma2 semaphore(%arg4 : memref<!tpu.dma_semaphore, #tpu.memory_space<semaphore_mem>>) src(%arg3 : memref<64x512xf32, #tpu.memory_space<vmem>>) dst(%dma_wait3A_1429 : memref<64x512xf32, #tpu.memory_space<hbm>>)
    %dma_wait3A_1430 = arith.constant 0 : i32
    %dma_wait3A_1431 = tpu.memref_slice %arg2[%select_n3A_852, %select_n3A_892, %mul3A_910, %dma_wait3A_1430] : memref<4x15x512x512xf32, #tpu.memory_space<hbm>> -> memref<1x1x64x512xf32, #tpu.memory_space<hbm>>
    %dma_wait3A_1432 = tpu.memref_squeeze %dma_wait3A_1431 : memref<1x1x64x512xf32, #tpu.memory_space<hbm>> -> memref<64x512xf32, #tpu.memory_space<hbm>>
    %dma_wait3A_1433 = arith.constant 0 : i32
    %dma_wait3A_1434 = tpu.memref_slice %arg2[%select_n3A_852, %select_n3A_892, %mul3A_910, %dma_wait3A_1433] : memref<4x15x512x512xf32, #tpu.memory_space<hbm>> -> memref<1x1x64x512xf32, #tpu.memory_space<hbm>>
    %dma_wait3A_1435 = tpu.memref_squeeze %dma_wait3A_1434 : memref<1x1x64x512xf32, #tpu.memory_space<hbm>> -> memref<64x512xf32, #tpu.memory_space<hbm>>
    tpu.wait_dma2 semaphore(%arg4 : memref<!tpu.dma_semaphore, #tpu.memory_space<semaphore_mem>>) src(%arg3 : memref<64x512xf32, #tpu.memory_space<vmem>>) dst(%dma_wait3A_1435 : memref<64x512xf32, #tpu.memory_space<hbm>>)
    %dma_wait3A_1436 = arith.constant 0 : i32
    %dma_wait3A_1437 = tpu.memref_slice %arg2[%select_n3A_944, %select_n3A_984, %mul3A_1002, %dma_wait3A_1436] : memref<4x15x512x512xf32, #tpu.memory_space<hbm>> -> memref<1x1x64x512xf32, #tpu.memory_space<hbm>>
    %dma_wait3A_1438 = tpu.memref_squeeze %dma_wait3A_1437 : memref<1x1x64x512xf32, #tpu.memory_space<hbm>> -> memref<64x512xf32, #tpu.memory_space<hbm>>
    %dma_wait3A_1439 = arith.constant 0 : i32
    %dma_wait3A_1440 = tpu.memref_slice %arg2[%select_n3A_944, %select_n3A_984, %mul3A_1002, %dma_wait3A_1439] : memref<4x15x512x512xf32, #tpu.memory_space<hbm>> -> memref<1x1x64x512xf32, #tpu.memory_space<hbm>>
    %dma_wait3A_1441 = tpu.memref_squeeze %dma_wait3A_1440 : memref<1x1x64x512xf32, #tpu.memory_space<hbm>> -> memref<64x512xf32, #tpu.memory_space<hbm>>
    tpu.wait_dma2 semaphore(%arg4 : memref<!tpu.dma_semaphore, #tpu.memory_space<semaphore_mem>>) src(%arg3 : memref<64x512xf32, #tpu.memory_space<vmem>>) dst(%dma_wait3A_1441 : memref<64x512xf32, #tpu.memory_space<hbm>>)
    %dma_wait3A_1442 = arith.constant 0 : i32
    %dma_wait3A_1443 = tpu.memref_slice %arg2[%select_n3A_1036, %select_n3A_1076, %mul3A_1094, %dma_wait3A_1442] : memref<4x15x512x512xf32, #tpu.memory_space<hbm>> -> memref<1x1x64x512xf32, #tpu.memory_space<hbm>>
    %dma_wait3A_1444 = tpu.memref_squeeze %dma_wait3A_1443 : memref<1x1x64x512xf32, #tpu.memory_space<hbm>> -> memref<64x512xf32, #tpu.memory_space<hbm>>
    %dma_wait3A_1445 = arith.constant 0 : i32
    %dma_wait3A_1446 = tpu.memref_slice %arg2[%select_n3A_1036, %select_n3A_1076, %mul3A_1094, %dma_wait3A_1445] : memref<4x15x512x512xf32, #tpu.memory_space<hbm>> -> memref<1x1x64x512xf32, #tpu.memory_space<hbm>>
    %dma_wait3A_1447 = tpu.memref_squeeze %dma_wait3A_1446 : memref<1x1x64x512xf32, #tpu.memory_space<hbm>> -> memref<64x512xf32, #tpu.memory_space<hbm>>
    tpu.wait_dma2 semaphore(%arg4 : memref<!tpu.dma_semaphore, #tpu.memory_space<semaphore_mem>>) src(%arg3 : memref<64x512xf32, #tpu.memory_space<vmem>>) dst(%dma_wait3A_1447 : memref<64x512xf32, #tpu.memory_space<hbm>>)
    %dma_wait3A_1448 = arith.constant 0 : i32
    %dma_wait3A_1449 = tpu.memref_slice %arg2[%select_n3A_1128, %select_n3A_1168, %mul3A_1186, %dma_wait3A_1448] : memref<4x15x512x512xf32, #tpu.memory_space<hbm>> -> memref<1x1x64x512xf32, #tpu.memory_space<hbm>>
    %dma_wait3A_1450 = tpu.memref_squeeze %dma_wait3A_1449 : memref<1x1x64x512xf32, #tpu.memory_space<hbm>> -> memref<64x512xf32, #tpu.memory_space<hbm>>
    %dma_wait3A_1451 = arith.constant 0 : i32
    %dma_wait3A_1452 = tpu.memref_slice %arg2[%select_n3A_1128, %select_n3A_1168, %mul3A_1186, %dma_wait3A_1451] : memref<4x15x512x512xf32, #tpu.memory_space<hbm>> -> memref<1x1x64x512xf32, #tpu.memory_space<hbm>>
    %dma_wait3A_1453 = tpu.memref_squeeze %dma_wait3A_1452 : memref<1x1x64x512xf32, #tpu.memory_space<hbm>> -> memref<64x512xf32, #tpu.memory_space<hbm>>
    tpu.wait_dma2 semaphore(%arg4 : memref<!tpu.dma_semaphore, #tpu.memory_space<semaphore_mem>>) src(%arg3 : memref<64x512xf32, #tpu.memory_space<vmem>>) dst(%dma_wait3A_1453 : memref<64x512xf32, #tpu.memory_space<hbm>>)
    %dma_wait3A_1454 = arith.constant 0 : i32
    %dma_wait3A_1455 = tpu.memref_slice %arg2[%select_n3A_1220, %select_n3A_1260, %mul3A_1278, %dma_wait3A_1454] : memref<4x15x512x512xf32, #tpu.memory_space<hbm>> -> memref<1x1x64x512xf32, #tpu.memory_space<hbm>>
    %dma_wait3A_1456 = tpu.memref_squeeze %dma_wait3A_1455 : memref<1x1x64x512xf32, #tpu.memory_space<hbm>> -> memref<64x512xf32, #tpu.memory_space<hbm>>
    %dma_wait3A_1457 = arith.constant 0 : i32
    %dma_wait3A_1458 = tpu.memref_slice %arg2[%select_n3A_1220, %select_n3A_1260, %mul3A_1278, %dma_wait3A_1457] : memref<4x15x512x512xf32, #tpu.memory_space<hbm>> -> memref<1x1x64x512xf32, #tpu.memory_space<hbm>>
    %dma_wait3A_1459 = tpu.memref_squeeze %dma_wait3A_1458 : memref<1x1x64x512xf32, #tpu.memory_space<hbm>> -> memref<64x512xf32, #tpu.memory_space<hbm>>
    tpu.wait_dma2 semaphore(%arg4 : memref<!tpu.dma_semaphore, #tpu.memory_space<semaphore_mem>>) src(%arg3 : memref<64x512xf32, #tpu.memory_space<vmem>>) dst(%dma_wait3A_1459 : memref<64x512xf32, #tpu.memory_space<hbm>>)
    %dma_wait3A_1460 = arith.constant 0 : i32
    %dma_wait3A_1461 = tpu.memref_slice %arg2[%select_n3A_1312, %select_n3A_1352, %mul3A_1370, %dma_wait3A_1460] : memref<4x15x512x512xf32, #tpu.memory_space<hbm>> -> memref<1x1x64x512xf32, #tpu.memory_space<hbm>>
    %dma_wait3A_1462 = tpu.memref_squeeze %dma_wait3A_1461 : memref<1x1x64x512xf32, #tpu.memory_space<hbm>> -> memref<64x512xf32, #tpu.memory_space<hbm>>
    %dma_wait3A_1463 = arith.constant 0 : i32
    %dma_wait3A_1464 = tpu.memref_slice %arg2[%select_n3A_1312, %select_n3A_1352, %mul3A_1370, %dma_wait3A_1463] : memref<4x15x512x512xf32, #tpu.memory_space<hbm>> -> memref<1x1x64x512xf32, #tpu.memory_space<hbm>>
    %dma_wait3A_1465 = tpu.memref_squeeze %dma_wait3A_1464 : memref<1x1x64x512xf32, #tpu.memory_space<hbm>> -> memref<64x512xf32, #tpu.memory_space<hbm>>
    tpu.wait_dma2 semaphore(%arg4 : memref<!tpu.dma_semaphore, #tpu.memory_space<semaphore_mem>>) src(%arg3 : memref<64x512xf32, #tpu.memory_space<vmem>>) dst(%dma_wait3A_1465 : memref<64x512xf32, #tpu.memory_space<hbm>>)
    return
  }
}

module attributes {stable_mosaic.version = 14 : i64} {
  func.func @_body(%arg0: i32, %arg1: i32, %arg2: memref<1x3x512x512xf32, #tpu.memory_space<vmem>>, %arg3: memref<1x3x512x512xf32, #tpu.memory_space<vmem>>, %arg4: memref<1x3x512x512xi8, #tpu.memory_space<vmem>>, %arg5: memref<1x3x512x512xf32, #tpu.memory_space<vmem>>, %arg6: memref<1x3x512x512xf32, #tpu.memory_space<vmem>>) attributes {dimension_semantics = [#tpu.dimension_semantics<arbitrary>, #tpu.dimension_semantics<arbitrary>], iteration_bounds = array<i64: 4, 5>, scalar_prefetch = 0 : i64, scratch_operands = 0 : i64, tpu.core_type = #tpu.core_type<tc>, window_params = [{transform_indices = @transform_0, window_bounds = array<i64: 1, 3, 512, 512>}, {transform_indices = @transform_1, window_bounds = array<i64: 1, 3, 512, 512>}, {transform_indices = @transform_2, window_bounds = array<i64: 1, 3, 512, 512>}, {transform_indices = @transform_3, window_bounds = array<i64: 1, 3, 512, 512>}, {transform_indices = @transform_4, window_bounds = array<i64: 1, 3, 512, 512>}]} {
    %get3A = arith.constant 0 : index
    %get3A_0 = arith.constant 0 : index
    %get3A_1 = arith.constant 0 : index
    %get3A_2 = arith.constant 0 : index
    %get3A_3 = vector.load %arg3[%get3A, %get3A_0, %get3A_1, %get3A_2] : memref<1x3x512x512xf32, #tpu.memory_space<vmem>>, vector<1x3x512x512xf32>
    %get3A_4 = arith.constant 0 : index
    %get3A_5 = arith.constant 0 : index
    %get3A_6 = arith.constant 0 : index
    %get3A_7 = arith.constant 0 : index
    %get3A_8 = vector.load %arg2[%get3A_4, %get3A_5, %get3A_6, %get3A_7] : memref<1x3x512x512xf32, #tpu.memory_space<vmem>>, vector<1x3x512x512xf32>
    %sub3A = arith.subf %get3A_3, %get3A_8 : vector<1x3x512x512xf32>
    %get3A_9 = arith.constant 0 : index
    %get3A_10 = arith.constant 0 : index
    %get3A_11 = arith.constant 0 : index
    %get3A_12 = arith.constant 0 : index
    %get3A_13 = vector.load %arg4[%get3A_9, %get3A_10, %get3A_11, %get3A_12] : memref<1x3x512x512xi8, #tpu.memory_space<vmem>>, vector<1x3x512x512xi8>
    %ne3A = arith.constant 0 : i8
    %ne3A_14 = vector.broadcast %ne3A : i8 to vector<1x3x512x512xi8>
    %ne3A_15 = arith.cmpi ne, %get3A_13, %ne3A_14 : vector<1x3x512x512xi8>
    %jit3A = arith.constant 0.000000e+00 : f32
    %broadcast_in_dim3A = vector.broadcast %jit3A : f32 to vector<1x3x512x512xf32>
    %select_n3A = arith.select %ne3A_15, %sub3A, %broadcast_in_dim3A : vector<1x3x512x512xi1>, vector<1x3x512x512xf32>
    %swap3A = arith.constant 0 : index
    %swap3A_16 = arith.constant 0 : index
    %swap3A_17 = arith.constant 0 : index
    %swap3A_18 = arith.constant 0 : index
    %swap3A_19 = vector.load %arg5[%swap3A, %swap3A_16, %swap3A_17, %swap3A_18] : memref<1x3x512x512xf32, #tpu.memory_space<vmem>>, vector<1x3x512x512xf32>
    tpu.vector_store %arg5[%swap3A, %swap3A_16, %swap3A_17, %swap3A_18], %select_n3A {strides = array<i32>} : memref<1x3x512x512xf32, #tpu.memory_space<vmem>>, vector<1x3x512x512xf32>,
    %broadcast_in_dim3A_20 = arith.constant 0.000000e+00 : f32
    %broadcast_in_dim3A_21 = vector.broadcast %broadcast_in_dim3A_20 : f32 to vector<1x3x512x512xf32>
    %swap3A_22 = arith.constant 0 : index
    %swap3A_23 = arith.constant 0 : index
    %swap3A_24 = arith.constant 0 : index
    %swap3A_25 = arith.constant 0 : index
    %swap3A_26 = vector.load %arg6[%swap3A_22, %swap3A_23, %swap3A_24, %swap3A_25] : memref<1x3x512x512xf32, #tpu.memory_space<vmem>>, vector<1x3x512x512xf32>
    tpu.vector_store %arg6[%swap3A_22, %swap3A_23, %swap3A_24, %swap3A_25], %broadcast_in_dim3A_21 {strides = array<i32>} : memref<1x3x512x512xf32, #tpu.memory_space<vmem>>, vector<1x3x512x512xf32>,
    return
  }
  func.func @transform_0(%arg0: i32, %arg1: i32) -> (i32, i32, i32, i32) {
    %c0_i32 = arith.constant 0 : i32
    %c0_i32_0 = arith.constant 0 : i32
    %c0_i32_1 = arith.constant 0 : i32
    return %arg0, %arg1, %c0_i32, %c0_i32_0 : i32, i32, i32, i32
  }
  func.func @transform_1(%arg0: i32, %arg1: i32) -> (i32, i32, i32, i32) {
    %c0_i32 = arith.constant 0 : i32
    %c0_i32_0 = arith.constant 0 : i32
    %c0_i32_1 = arith.constant 0 : i32
    return %arg0, %arg1, %c0_i32, %c0_i32_0 : i32, i32, i32, i32
  }
  func.func @transform_2(%arg0: i32, %arg1: i32) -> (i32, i32, i32, i32) {
    %c0_i32 = arith.constant 0 : i32
    %c0_i32_0 = arith.constant 0 : i32
    %c0_i32_1 = arith.constant 0 : i32
    return %arg0, %arg1, %c0_i32, %c0_i32_0 : i32, i32, i32, i32
  }
  func.func @transform_3(%arg0: i32, %arg1: i32) -> (i32, i32, i32, i32) {
    %c0_i32 = arith.constant 0 : i32
    %c0_i32_0 = arith.constant 0 : i32
    %c0_i32_1 = arith.constant 0 : i32
    return %arg0, %arg1, %c0_i32, %c0_i32_0 : i32, i32, i32, i32
  }
  func.func @transform_4(%arg0: i32, %arg1: i32) -> (i32, i32, i32, i32) {
    %c0_i32 = arith.constant 0 : i32
    %c0_i32_0 = arith.constant 0 : i32
    %c0_i32_1 = arith.constant 0 : i32
    return %arg0, %arg1, %c0_i32, %c0_i32_0 : i32, i32, i32, i32
  }
}

</mosaic_0001>

<sc_bundles>
// kernel: kernel.4.cloned.1.call-start
scs
__scs_entry_jumppad:
0x0: {  	(pc) =	sbr.rel $0x88, $3  }
0x1: {  	(tag) =	ssettag $0x0;
	lr =	simm.s32 $0x1  }
0x2: {  	[smem:$0x3F9E] =	sst lr;
	_ =	strace $0xD0000000  }
0x3: {  	_ = 	snop  }
0x4: {  	_ = 	snop  }
0x5: {  	_ = 	snop  }
0x6: {  	_ = 	snop  }
0x7: {  	_ = 	snop  }
__scs_overlays_trampoline_lowered:
0x8: {  	[smem:$0x3FAD] =	sst s0  }
0x9: {  	[smem:$0x3FAE] =	sst s1  }
0xa: {  	[smem:$0x3FAF] =	sst s2  }
0xb: {  	[smem:$0x3FB0] =	sst s3  }
0xc: {  	[smem:$0x3FB1] =	sst s4  }
0xd: {  	[smem:$0x3FB2] =	sst s5  }
0xe: {  	[smem:$0x3FB3] =	sst s6  }
0xf: {  	[smem:$0x3FB4] =	sst s7  }
0x10: {  	[smem:$0x3FB5] =	sst s8  }
0x11: {  	[smem:$0x3FB6] =	sst s9;
	s0 =	simm.s32 @!p0 $0x0  }
0x12: {  	s1 =	sld [smem:$0x3F9C];
	s0 =	simm.s32 @p0 $0x1  }
0x13: {  	[smem:$0x3FB7] =	sst s0;
	s0 =	simm.s32 @!p1 $0x0  }
0x14: {  	s2 =	sld [smem:$0x3F9B];
	s0 =	simm.s32 @p1 $0x1  }
0x15: {  	[smem:$0x3FB8] =	sst s0;
	s0 =	simm.s32 @!p2 $0x0  }
0x16: {  	s3 =	sld [smem:$0x3FDB];
	s0 =	simm.s32 @p2 $0x1  }
0x17: {  	s4 =	simm.s32 $0x1BF5;
	[smem:$0x3FBA] =	sst s0  }
0x18: {  	s0 =	sld [smem:$0x3F9D];
	_ =	swait.ge [sflag:s4], $0x0  }
0x19: {  	s7 =	sld [smem:$0x3F9E]  }
0x1a: {  	s8 =	sadd.s32 $0xFFFFE003, lr  }
0x1b: {  	s9 =	sadd.s32 $0xFFFFFEF7, lr;
	s5 =	simm.s32 $0xFFFFFFFF;
	p2 =	slt.u32 s8, $0xFFFFF086  }
0x1c: {  	p1 =	slt.u32 s9, $0xF7A;
	s5 =	simm.s32 @!p2 $0x0  }
0x1d: {  	s5 =	simm.s32 @p1 $0x1;
	p0 =	seq.s32 s7, s2  }
0x1e: {  	s7 =	smul.u32 @!p0 $0xF7A, s2;
	p2 =	seq.s32 @!p0 s5, $0x0  }
0x1f: {  	s9 =	smul.u32 $0xF7A, s1;
	s8 =	simm.s32 @!p0 $0x1BF5;
	p2 =	por !p2, p0  }
0x20: {  	[sflag:s8] =	ssyncset.s32 @!p0 $0xFFFFF086;
	s6 =	sadd.s32 @!p0 s3, s7;
	s7 =	simm.s32 @!p0 $0x108  }
0x21: {  	s3 =	sadd.s32 s3, s9;
	s6 =	sadd.s32 @!p0 $0x88, s6;
	s7 =	simm.s32 @p2 $0x1082  }
0x22: {  	[simem:s7], [sflag:s8] =	dma.local @!p0 [hbm:s6], $0xF7A  }
0x23: {  	s9 =	sor.u32 $0xD0000000, s2;
	s6 =	simm.s32 $0x108;
	_ =	swait.ge @!p0 [sflag:s8], $0x0  }
0x24: {  	s3 =	sadd.s32 $0x88, s3;
	s6 =	simm.s32 @!p1 $0x1082;
	[sflag:s4] =	ssyncset.s32 $0xFFFFF086  }
0x25: {  	[simem:s6], [sflag:s4] =	dma.local [hbm:s3], $0xF7A  }
0x26: {  	[smem:$0x3F9E] =	sst s1;
	(tag) =	ssettag s2;
	_ =	strace s9  }
0x27: {  	s1 =	sld [smem:$0x3FAE]  }
0x28: {  	s2 =	sld [smem:$0x3FAF]  }
0x29: {  	s4 =	sld [smem:$0x3FB1]  }
0x2a: {  	p0 =	seq.s32 s5, $0x0;
	s5 =	sld [smem:$0x3FB2]  }
0x2b: {  	s6 =	sld [smem:$0x3FB3]  }
0x2c: {  	s7 =	sld [smem:$0x3FB4]  }
0x2d: {  	s3 =	simm.s32 $0x108;
	s8 =	sld [smem:$0x3FB5]  }
0x2e: {  	s3 =	simm.s32 @!p0 $0x1082;
	s9 =	sld [smem:$0x3FB6]  }
0x2f: {  	lr =	sadd.s32 s0, s3;
	s0 =	sld [smem:$0x3FAD]  }
0x30: {  	s3 =	sld [smem:$0x3FB0]  }
0x31: {  	[smem:$0x3FB9] =	sst s10  }
0x32: {  	s10 =	sld [smem:$0x3FB7];
	_ =	sdelay $0x3  }
0x33: {  	p0 =	seq.s32 s10, $0x1;
	s10 =	sld [smem:$0x3FB9];
	_ =	sdelay $0x3  }
0x34: {  	[smem:$0x3FB9] =	sst s10  }
0x35: {  	s10 =	sld [smem:$0x3FB8];
	_ =	sdelay $0x3  }
0x36: {  	p1 =	seq.s32 s10, $0x1;
	s10 =	sld [smem:$0x3FB9];
	_ =	sdelay $0x3  }
0x37: {  	[smem:$0x3FB9] =	sst s10  }
0x38: {  	s10 =	sld [smem:$0x3FBA]  }
0x39: {  	_ = 	snop;
	(pc) =	sbr.ind lr, $3  }
0x3a: {  	_ = 	snop  }
0x3b: {  	_ = 	snop  }
0x3c: {  	p2 =	seq.s32 s10, $0x1;
	s10 =	sld [smem:$0x3FB9]  }
0x3d: {  	_ =	shalt  }
0x3e: {  	_ =	shalt  }
0x3f: {  	_ =	shalt  }
0x40: {  	_ =	shalt  }
0x41: {  	_ =	shalt  }
0x42: {  	_ =	shalt  }
0x43: {  	_ =	shalt  }
0x44: {  	_ =	shalt  }
0x45: {  	_ =	shalt  }
0x46: {  	_ =	shalt  }
0x47: {  	_ =	shalt  }
0x48: {  	_ =	shalt  }
0x49: {  	_ =	shalt  }
0x4a: {  	_ =	shalt  }
0x4b: {  	_ =	shalt  }
0x4c: {  	_ =	shalt  }
0x4d: {  	_ =	shalt  }
0x4e: {  	_ =	shalt  }
0x4f: {  	_ =	shalt  }
0x50: {  	_ =	shalt  }
0x51: {  	_ =	shalt  }
0x52: {  	_ =	shalt  }
0x53: {  	_ =	shalt  }
0x54: {  	_ =	shalt  }
0x55: {  	_ =	shalt  }
0x56: {  	_ =	shalt  }
0x57: {  	_ =	shalt  }
0x58: {  	_ =	shalt  }
0x59: {  	_ =	shalt  }
0x5a: {  	_ =	shalt  }
0x5b: {  	_ =	shalt  }
0x5c: {  	_ =	shalt  }
0x5d: {  	_ =	shalt  }
0x5e: {  	_ =	shalt  }
0x5f: {  	_ =	shalt  }
0x60: {  	_ =	shalt  }
0x61: {  	_ =	shalt  }
0x62: {  	_ =	shalt  }
0x63: {  	_ =	shalt  }
0x64: {  	_ =	shalt  }
0x65: {  	_ =	shalt  }
0x66: {  	_ =	shalt  }
0x67: {  	_ =	shalt  }
0x68: {  	_ =	shalt  }
0x69: {  	_ =	shalt  }
0x6a: {  	_ =	shalt  }
0x6b: {  	_ =	shalt  }
0x6c: {  	_ =	shalt  }
0x6d: {  	_ =	shalt  }
0x6e: {  	_ =	shalt  }
0x6f: {  	_ =	shalt  }
0x70: {  	_ =	shalt  }
0x71: {  	_ =	shalt  }
0x72: {  	_ =	shalt  }
0x73: {  	_ =	shalt  }
0x74: {  	_ =	shalt  }
0x75: {  	_ =	shalt  }
0x76: {  	_ =	shalt  }
0x77: {  	_ =	shalt  }
0x78: {  	_ =	shalt  }
0x79: {  	_ =	shalt  }
0x7a: {  	_ =	shalt  }
0x7b: {  	_ =	shalt  }
0x7c: {  	_ =	shalt  }
0x7d: {  	_ =	shalt  }
0x7e: {  	_ =	shalt  }
0x7f: {  	_ =	shalt  }
0x80: {  	_ =	shalt  }
0x81: {  	_ =	shalt  }
0x82: {  	_ =	shalt  }
0x83: {  	_ =	shalt  }
0x84: {  	_ =	shalt  }
0x85: {  	_ =	shalt  }
0x86: {  	_ =	shalt  }
0x87: {  	_ =	shalt  }
.Lfunc_end0:
.L_simem_size_0:
called_computation_lowered:
.L_overlay_start_0:
0x88: {  	s2 =	sld [smem:$0x3FD9]  }
0x89: {  	s3 =	sld [smem:$0x3FFE];
	_ =	sdelay $0x1  }
0x8a: {  	s1 =	srdreg.scid  }
0x8b: {  	s0 =	sand.u32 $0x1, s1  }
0x8c: {  	s15 =	sshll.u32 s0, $0xA;
	s2 =	sadd.s32 s3, s2  }
0x8d: {  	s2 =	sadd.s32 s2, s15  }
0x8e: {  	[smem:$0x3FC5] =	sst s2  }
0x8f: {  	_ = 	snop  }
0x90: {  	s2 =	sld [smem:$0x3FD0];
	_ =	sdelay $0x2  }
0x91: {  	s16 =	simm.s32 $0xA;
	s4 =	simm.s32 $0x10  }
0x92: {  	[smem:s4], [sflag:s16] =	dma.local [hbm:s2], $0x1  }
0x93: {  	_ =	swait.eq [sflag:s16], $0x1  }
0x94: {  	[sflag:s16] =	ssyncset.done $0x0  }
0x95: {  	[sflag:s16] =	ssyncadd.s32 $0xFFFFFFFF  }
0x96: {  	s17 =	sld [smem:$0x12];
	(tm) =	ssettm $0x1  }
0x97: {  	s18 =	sld [smem:$0x3FFB];
	_ =	sdelay $0x3  }
0x98: {  	_ =	strace s18  }
0x99: {  	s3 =	sld [smem:$0x3FFC];
	_ =	sdelay $0x3  }
0x9a: {  	_ =	strace s3  }
0x9b: {  	s3 =	sld [smem:$0x3FFD];
	_ =	sdelay $0x3  }
0x9c: {  	_ =	strace s3  }
0x9d: {  	_ =	strace $0x8FFFFFFF  }
0x9e: {  	s19 =	sld [smem:$0x3FDB];
	_ =	sdelay $0x1  }
0x9f: {  	s20 =	simm.s32 $_scs_section_size  }
0xa0: {  	s5 =	simm.s32 $_size__tile_overlayer_lowered;
	s6 =	simm.s32 $_tile_overlayer_lowered  }
0xa1: {  	s23 =	simm.s32 $0x1BFF;
	s22 =	sshll.u32 s6, $0x1;
	s3 =	sadd.s32 s20, s19  }
0xa2: {  	s7 =	simm.s32 $0x0;
	s21 =	sshll.u32 s5, $0x1;
	s5 =	sadd.s32 s22, s3  }
0xa3: {  	[timem:s7], [sflag:s23] =	dma.local [hbm:s5], s21  }
0xa4: {  	_ =	swait.ge [sflag:s23], s21  }
0xa5: {  	s4 =	ssub.s32 $0x0, s21;
	[sflag:s23] =	ssyncset.done $0x0  }
0xa6: {  	[sflag:s23] =	ssyncadd.s32 s4;
	_ =	sdelay $0x1  }
0xa7: {  	s24 =	simm.s32 $0x1B8B  }
0xa8: {  	_ =	swait.ge [sflag:s24], $0x1  }
0xa9: {  	[sflag:s24] =	ssyncset.done $0x0  }
0xaa: {  	s25 =	simm.s32 $0x1B8E;
	[sflag:s24] =	ssyncadd.s32 $0xFFFFFFFF  }
0xab: {  	s26 =	simm.s32 $execute0_lowered;
	[smem:$0x3FD2] =	sst s25  }
0xac: {  	s4 =	sshll.u32 s26, $0x1;
	_ =	strace $0x80000046;
	[dreg:$0x1] =	wrdreg $0xFFFFFFFF  }
0xad: {  	s28 =	simm.s32 $_size_execute0_lowered;
	s3 =	sadd.s32 s3, s4;
	[dreg:$0x0] =	wrdreg $0x0  }
0xae: {  	s4 =	sshll.u32 s28, $0x1;
	[dreg:$0x2] =	wrdreg s3  }
0xaf: {  	[dreg:$0x3] =	wrdreg s4  }
0xb0: {  	[dreg:$0x4] =	wrdreg $0xC0  }
0xb1: {  	_ =	task [dreg:s7], $0x5FFFF  }
0xb2: {  	[dreg:$0x1] =	wrdreg $0xFFFFFFFF  }
0xb3: {  	[dreg:$0x0] =	wrdreg $0x60  }
0xb4: {  	[dreg:$0x2] =	wrdreg s17  }
0xb5: {  	[dreg:$0x3] =	wrdreg $0x9  }
0xb6: {  	_ =	task.clear_ibuf [dreg:s7], $0x4FFFF;
	_ =	strace $0x90000046  }
0xb7: {  	s29 =	simm.s32 $0x9;
	_ =	strace $0x80000048  }
0xb8: {  	_ =	swait.ge [sflag:s29], $0x1  }
0xb9: {  	[sflag:s29] =	ssyncadd.s32 $0xFFFFFFFF  }
0xba: {  	_ =	strace $0x90000048  }
0xbb: {  	_ =	sfence  }
0xbc: {  	s30 =	sld [smem:$0x0];
	_ =	sdelay $0x2  }
0xbd: {  	s31 =	sshll.u32 s1, $0xD;
	s1 =	sshrl.u32 s1, $0x2  }
0xbe: {  	s3 =	sand.u32 $0x4000, s31;
	s1 =	sadd.s32 s1, s30  }
0xbf: {  	s0 =	sor.u32 s3, s0;
	s1 =	sshll.u32 s1, $0x11  }
0xc0: {  	s0 =	sor.u32 s1, s0  }
0xc1: {  	s0 =	sadd.s32 $0x8F2B, s0  }
0xc2: {  	[sflag:s0] =	ssyncadd.remote.s32 $0x1  }
0xc3: {  	_ =	sfence.sel $0xFFFF  }
0xc4: {  	[dreg:$0x0] =	wrdreg $0xFFFFFFFF;
	(pc) =	sbr.abs _section_cstart, $3  }
0xc5: {  	[dreg:$0x1] =	wrdreg $0xFFFFFFFF  }
0xc6: {  	_ =	task.clear_ibuf [dreg:s7], $0x2FFFF;
	_ =	strace $0x9FFFFFFF  }
0xc7: {  	(tm) =	ssettm $0x7FFFFFFF  }
tec
execute0_lowered:
.L_overlay_start_1:
0x0: {  	(tag) =	ssettag $0x1  }
0x1: {  	s1 =	srdreg.scid;
	s0 =	stileid.u32  }
0x2: {  	s1 =	sand.u32 $0x1, s1;
	s2 =	sshll.u32 s0, $0x1;
	s9 =	sshrl.u32 s0, $0x2  }
0x3: {  	s4 =	sor.u32 s1, s2;
	s9 =	smul.u32 $0x3C0000, s9  }
0x4: {  	s1 =	ssub.s32 $0x2, s1;
	s2 =	smul.u32 $0xF, s4  }
0x5: {  	s13 =	sshrl.u32 s1, $0x1;
	s15 =	smul.u32 $0x38000, s4  }
0x6: {  	s5 =	sshrl.u32 s2, $0x3;
	s6 =	sadd.s32 $0x1, s2;
	s17 =	sadd.s32 $0x2, s2  }
0x7: {  	s23 =	sadd.s32 $0x3, s2;
	s30 =	sadd.s32 $0x4, s2;
	s3 =	smul.u32 $0x45, s5  }
0x8: {  	s8 =	sshrl.u32 s6, $0x3;
	s11 =	sshrl.u32 s17, $0x3;
	s6 =	sshll.u32 s6, $0xF  }
0x9: {  	s25 =	sshrl.u32 s23, $0x3;
	s10 =	smul.u32 $0x89, s8;
	s3 =	sshrl.u32 s3, $0xA  }
0xa: {  	s31 =	sshrl.u32 s30, $0x3;
	s26 =	smul.u32 $0x89, s25;
	s3 =	sand.u32 $0x3F, s3  }
0xb: {  	s6 =	sand.u32 $0x38000, s6;
	s10 =	sshrl.u32 s10, $0xB;
	s7 =	smul.u32 $0xF, s3  }
0xc: {  	s29 =	sshrl.u32 s26, $0xB;
	s3 =	ssub.s32 s1, s13;
	s1 =	smul.u32 $0x400B, s4  }
0xd: {  	s16 =	sand.u32 $0x1F, s10;
	s13 =	smul.u32 $0x89, s11;
	s10 =	sshll.u32 s17, $0xF  }
0xe: {  	s4 =	smul.u32 $0xF, s16;
	s10 =	sand.u32 $0x38000, s10;
	s3 =	smax.u32 s3, $0x1  }
0xf: {  	s14 =	ssub.s32 s5, s7;
	s12 =	sadd.s32 $0x445, s1;
	s19 =	sshrl.u32 s13, $0xB  }
0x10: {  	s24 =	sadd.s32 $0x88A, s1;
	s26 =	sadd.s32 $0x1559, s1;
	s5 =	sand.u32 $0xFF, s14  }
0x11: {  	s18 =	sshrl.u32 s12, $0x11;
	s4 =	ssub.s32 s8, s4;
	s21 =	sand.u32 $0x1F, s19  }
0x12: {  	s12 =	sshrl.u32 s24, $0x11;
	s14 =	sadd.s32 $0xCCF, s1;
	s7 =	smul.u32 $0x3C0000, s18  }
0x13: {  	s24 =	sadd.s32 $0x6, s2;
	s5 =	sshll.u32 s5, $0x12;
	s22 =	smul.u32 $0xF, s21  }
0x14: {  	s8 =	sand.u32 $0xFF, s4;
	s12 =	smul.u32 $0x3C0000, s12;
	s16 =	sshrl.u32 s14, $0x11  }
0x15: {  	s18 =	sadd.s32 $0x5, s2;
	s21 =	sadd.s32 $0x1114, s1;
	s5 =	sadd.s32 s9, s5  }
0x16: {  	s9 =	sand.u32 $0x38000, s15;
	s20 =	sshll.u32 s8, $0x12;
	s15 =	smul.u32 $0x89, s31  }
0x17: {  	s8 =	sshll.u32 s23, $0xF;
	s14 =	sshll.u32 s18, $0xF;
	s4 =	sor.u32 s9, s5  }
0x18: {  	s5 =	sadd.s32 s7, s20;
	s7 =	ssub.s32 s11, s22;
	s20 =	sshrl.u32 s18, $0x3  }
0x19: {  	s8 =	sand.u32 $0x38000, s8;
	s11 =	sshll.u32 s30, $0xF;
	s30 =	sadd.s32 $0x199E, s1  }
0x1a: {  	s14 =	sand.u32 $0x38000, s14;
	s7 =	sand.u32 $0xFF, s7;
	s5 =	sor.u32 s6, s5  }
0x1b: {  	s17 =	sshrl.u32 s15, $0xB;
	s15 =	sshrl.u32 s21, $0x11;
	s11 =	sand.u32 $0x38000, s11  }
0x1c: {  	s21 =	sadd.s32 $0x8, s2;
	s4 =	sshrl.u32 s4, $0x3;
	s28 =	sshll.u32 s7, $0x12  }
0x1d: {  	s7 =	sand.u32 $0x1F, s29;
	s13 =	sand.u32 $0x1F, s17;
	s22 =	smul.u32 $0x3C0000, s15  }
0x1e: {  	s17 =	sshrl.u32 s24, $0x3;
	s29 =	sadd.s32 $0x7, s2;
	s7 =	smul.u32 $0xF, s7  }
0x1f: {  	s5 =	sshrl.u32 s5, $0x3;
	s6 =	sadd.s32 s12, s28;
	s19 =	smul.u32 $0xF, s13  }
0x20: {  	s13 =	sshll.u32 s29, $0xF;
	s6 =	sor.u32 s10, s6;
	s10 =	smul.u32 $0x3C0000, s16  }
0x21: {  	s16 =	smul.u32 $0x89, s20;
	s13 =	sand.u32 $0x38000, s13;
	s7 =	ssub.s32 s25, s7  }
0x22: {  	s25 =	smul.u32 $0x89, s17;
	s6 =	sshrl.u32 s6, $0x3;
	s7 =	sand.u32 $0xFF, s7  }
0x23: {  	s23 =	sshrl.u32 s16, $0xB;
	s16 =	sshll.u32 s24, $0xF;
	s7 =	sshll.u32 s7, $0x12  }
0x24: {  	s15 =	sand.u32 $0x1F, s23;
	s12 =	sshrl.u32 s25, $0xB;
	s16 =	sand.u32 $0x38000, s16  }
0x25: {  	s7 =	sadd.s32 s10, s7;
	s15 =	smul.u32 $0xF, s15;
	s12 =	sand.u32 $0x1F, s12  }
0x26: {  	s10 =	ssub.s32 s31, s19;
	s31 =	sshrl.u32 s29, $0x3;
	s12 =	smul.u32 $0xF, s12  }
0x27: {  	s10 =	sand.u32 $0xFF, s10;
	s7 =	sor.u32 s8, s7;
	s19 =	smul.u32 $0x89, s31  }
0x28: {  	s10 =	sshll.u32 s10, $0x12;
	s28 =	ssub.s32 s20, s15;
	s7 =	sshrl.u32 s7, $0x3  }
0x29: {  	s10 =	sadd.s32 s22, s10;
	s12 =	ssub.s32 s17, s12;
	s17 =	sshrl.u32 s19, $0xB  }
0x2a: {  	s19 =	sadd.s32 $0x1DE3, s1;
	s8 =	sor.u32 s11, s10;
	s10 =	sshrl.u32 s26, $0x11  }
0x2b: {  	s11 =	sand.u32 $0xFF, s28;
	s12 =	sand.u32 $0xFF, s12;
	s20 =	sand.u32 $0x1F, s17  }
0x2c: {  	s17 =	sshrl.u32 s21, $0x3;
	s22 =	sshrl.u32 s19, $0x11;
	s10 =	smul.u32 $0x3C0000, s10  }
0x2d: {  	s26 =	sadd.s32 $0x2228, s1;
	s19 =	sadd.s32 $0xA, s2;
	s18 =	smul.u32 $0xF, s20  }
0x2e: {  	s11 =	sshll.u32 s11, $0x12;
	s12 =	sshll.u32 s12, $0x12;
	s20 =	smul.u32 $0x89, s17  }
0x2f: {  	s10 =	sadd.s32 s10, s11;
	s11 =	sshrl.u32 s30, $0x11;
	s23 =	ssub.s32 s31, s18  }
0x30: {  	s24 =	sshrl.u32 s20, $0xB;
	s31 =	sshrl.u32 s19, $0x3;
	s11 =	smul.u32 $0x3C0000, s11  }
0x31: {  	s29 =	sshrl.u32 s26, $0x11;
	s15 =	sand.u32 $0x1F, s24;
	s21 =	smul.u32 $0x89, s31  }
0x32: {  	s8 =	sshrl.u32 s8, $0x3;
	s19 =	sshll.u32 s19, $0xF;
	s15 =	smul.u32 $0xF, s15  }
0x33: {  	s12 =	sadd.s32 s11, s12;
	s11 =	sor.u32 s14, s10;
	s14 =	sand.u32 $0xFF, s23  }
0x34: {  	s10 =	sor.u32 s16, s12;
	s12 =	smul.u32 $0x3C0000, s22;
	s16 =	sadd.s32 $0x9, s2  }
0x35: {  	s14 =	sshll.u32 s14, $0x12;
	s15 =	ssub.s32 s17, s15;
	s25 =	sshrl.u32 s16, $0x3  }
0x36: {  	s22 =	sadd.s32 $0x266D, s1;
	s15 =	sand.u32 $0xFF, s15;
	s28 =	smul.u32 $0x89, s25  }
0x37: {  	s23 =	sshrl.u32 s22, $0x11;
	s16 =	sshll.u32 s16, $0xF;
	s22 =	sadd.s32 $0x2EF7, s1  }
0x38: {  	s12 =	sadd.s32 s12, s14;
	s14 =	smul.u32 $0x3C0000, s29;
	s30 =	sshrl.u32 s28, $0xB  }
0x39: {  	s10 =	sshrl.u32 s10, $0x3;
	s15 =	sshll.u32 s15, $0x12;
	s17 =	sand.u32 $0x1F, s30  }
0x3a: {  	s12 =	sor.u32 s13, s12;
	s14 =	sadd.s32 s14, s15;
	s17 =	smul.u32 $0xF, s17  }
0x3b: {  	s28 =	sadd.s32 $0x2AB2, s1;
	s13 =	sor.u32 s9, s14;
	s9 =	smul.u32 $0x3C0000, s23  }
0x3c: {  	s24 =	ssub.s32 s25, s17;
	s25 =	sshrl.u32 s21, $0xB;
	s17 =	sadd.s32 $0xB, s2  }
0x3d: {  	s14 =	sand.u32 $0xFF, s24;
	s15 =	sand.u32 $0x1F, s25;
	s26 =	sshrl.u32 s17, $0x3  }
0x3e: {  	s24 =	sand.u32 $0x38000, s19;
	s14 =	sshll.u32 s14, $0x12;
	s15 =	smul.u32 $0xF, s15  }
0x3f: {  	s29 =	smul.u32 $0x89, s26;
	s9 =	sadd.s32 s9, s14;
	s14 =	sshrl.u32 s28, $0x11  }
0x40: {  	s17 =	sshll.u32 s17, $0xF;
	s15 =	ssub.s32 s31, s15;
	s14 =	smul.u32 $0x3C0000, s14  }
0x41: {  	s30 =	sshrl.u32 s29, $0xB;
	s31 =	sand.u32 $0x38000, s16;
	s15 =	sand.u32 $0xFF, s15  }
0x42: {  	s16 =	sadd.s32 $0xC, s2;
	s20 =	sand.u32 $0x1F, s30;
	s15 =	sshll.u32 s15, $0x12  }
0x43: {  	s20 =	smul.u32 $0xF, s20;
	s15 =	sadd.s32 s14, s15;
	s14 =	sshrl.u32 s22, $0x11  }
0x44: {  	s29 =	sand.u32 $0x38000, s17;
	s17 =	sadd.s32 $0xD, s2;
	s22 =	smul.u32 $0x3C0000, s14  }
0x45: {  	s23 =	ssub.s32 s26, s20;
	s20 =	sshrl.u32 s16, $0x3;
	s14 =	sor.u32 s31, s9  }
0x46: {  	s15 =	sor.u32 s24, s15;
	s31 =	sshrl.u32 s17, $0x3;
	s16 =	sshll.u32 s16, $0xF  }
0x47: {  	s17 =	sshll.u32 s17, $0xF;
	s25 =	sand.u32 $0xFF, s23;
	s23 =	smul.u32 $0x89, s20  }
0x48: {  	s16 =	sand.u32 $0x38000, s16;
	s17 =	sand.u32 $0x38000, s17;
	s26 =	sshll.u32 s25, $0x12  }
0x49: {  	s25 =	smul.u32 $0x89, s31;
	s9 =	sadd.s32 s22, s26;
	s28 =	sshrl.u32 s23, $0xB  }
0x4a: {  	s23 =	sadd.s32 $0x333C, s1;
	s18 =	sand.u32 $0x1F, s28;
	s19 =	sor.u32 s29, s9  }
0x4b: {  	s28 =	sshrl.u32 s25, $0xB;
	s25 =	sshrl.u32 s11, $0x3;
	s30 =	smul.u32 $0xF, s18  }
0x4c: {  	s18 =	sadd.s32 $0xE, s2;
	s2 =	sshrl.u32 s23, $0x11;
	s21 =	sand.u32 $0x1F, s28  }
0x4d: {  	s23 =	rddreg [dreg:$0x0];
	s28 =	sshrl.u32 s13, $0x3;
	s2 =	smul.u32 $0x3C0000, s2  }
0x4e: {  	s24 =	sshrl.u32 s18, $0x3;
	s21 =	smul.u32 $0xF, s21;
	s4 =	sadd.s32 s23, s4  }
0x4f: {  	s5 =	sadd.s32 s23, s5;
	s6 =	sadd.s32 s23, s6;
	s7 =	sadd.s32 s23, s7  }
0x50: {  	s8 =	sadd.s32 s23, s8;
	s10 =	sadd.s32 s23, s10;
	s26 =	smul.u32 $0x89, s24  }
0x51: {  	s20 =	ssub.s32 s20, s30;
	s30 =	sadd.s32 $0x3781, s1;
	s1 =	rddreg [dreg:$0x1]  }
0x52: {  	s20 =	sand.u32 $0xFF, s20;
	s21 =	ssub.s32 s31, s21;
	s31 =	smul.u32 $0x445, s18  }
0x53: {  	s18 =	sshll.u32 s18, $0xF;
	s9 =	sshrl.u32 s26, $0xB;
	s20 =	sshll.u32 s20, $0x12  }
0x54: {  	s21 =	sand.u32 $0xFF, s21;
	s26 =	sshrl.u32 s12, $0x3;
	s12 =	sadd.s32 s23, s28  }
0x55: {  	s18 =	sand.u32 $0x38000, s18;
	s9 =	sand.u32 $0x1F, s9;
	s20 =	sadd.s32 s2, s20  }
0x56: {  	s2 =	simm.s32 $0x0;
	s22 =	sshrl.u32 s31, $0x11;
	s21 =	sshll.u32 s21, $0x12  }
0x57: {  	s11 =	sadd.s32 s23, s26;
	s31 =	sshrl.u32 s19, $0x3;
	s29 =	smul.u32 $0xF, s9  }
0x58: {  	s19 =	simm.s32 $0x1;
	s9 =	sshrl.u32 s30, $0x11;
	s22 =	smul.u32 $0x3C0000, s22  }
0x59: {  	[smem:$0x7FF] =	sst s2;
	s30 =	sshrl.u32 s15, $0x3;
	s15 =	sadd.s32 s23, s31  }
0x5a: {  	s16 =	sor.u32 s16, s20;
	s20 =	simm.s32 $0x0;
	s24 =	ssub.s32 s24, s29  }
0x5b: {  	s9 =	smul.u32 $0x3C0000, s9;
	_ =	strace $0x80000047;
	s24 =	sand.u32 $0xFF, s24  }
0x5c: {  	s16 =	sshrl.u32 s16, $0x3;
	s29 =	sshrl.u32 s14, $0x3;
	s24 =	sshll.u32 s24, $0x12  }
0x5d: {  	s14 =	sadd.s32 s23, s30;
	s21 =	sadd.s32 s9, s21;
	s22 =	sadd.s32 s22, s24  }
0x5e: {  	s16 =	sadd.s32 s23, s16;
	s17 =	sor.u32 s17, s21;
	s18 =	sor.u32 s18, s22  }
0x5f: {  	s9 =	sadd.s32 s23, s25;
	s17 =	sshrl.u32 s17, $0x3;
	s18 =	sshrl.u32 s18, $0x3  }
0x60: {  	v0 =	vimm.f32 $0.0e+00;
	s13 =	sadd.s32 s23, s29;
	s17 =	sadd.s32 s23, s17;
	s18 =	sadd.s32 s23, s18  }
.LBB2_1:
0x61: {  	s21 =	sand.u32 $0x7000, s2;
	s22 =	sand.u32 $0x380, s2  }
0x62: {  	s21 =	sor.u32 s22, s21  }
0x63: {  	[tilespmem:s21+$0xC70] =	vst v0  }
0x64: {  	[tilespmem:s21+$0x0] =	vst v0  }
0x65: {  	[tilespmem:s21+$0x10] =	vst v0  }
0x66: {  	[tilespmem:s21+$0x20] =	vst v0  }
0x67: {  	[tilespmem:s21+$0x30] =	vst v0  }
0x68: {  	[tilespmem:s21+$0x40] =	vst v0  }
0x69: {  	[tilespmem:s21+$0x50] =	vst v0  }
0x6a: {  	[tilespmem:s21+$0x60] =	vst v0  }
0x6b: {  	[tilespmem:s21+$0x70] =	vst v0  }
0x6c: {  	[tilespmem:s21+$0x400] =	vst v0  }
0x6d: {  	[tilespmem:s21+$0x410] =	vst v0  }
0x6e: {  	[tilespmem:s21+$0x420] =	vst v0  }
0x6f: {  	[tilespmem:s21+$0x430] =	vst v0  }
0x70: {  	[tilespmem:s21+$0x440] =	vst v0  }
0x71: {  	[tilespmem:s21+$0x450] =	vst v0  }
0x72: {  	[tilespmem:s21+$0x460] =	vst v0  }
0x73: {  	[tilespmem:s21+$0x470] =	vst v0  }
0x74: {  	[tilespmem:s21+$0x800] =	vst v0  }
0x75: {  	[tilespmem:s21+$0x810] =	vst v0  }
0x76: {  	[tilespmem:s21+$0x820] =	vst v0  }
0x77: {  	[tilespmem:s21+$0x830] =	vst v0  }
0x78: {  	[tilespmem:s21+$0x840] =	vst v0  }
0x79: {  	[tilespmem:s21+$0x850] =	vst v0  }
0x7a: {  	[tilespmem:s21+$0x860] =	vst v0  }
0x7b: {  	[tilespmem:s21+$0x870] =	vst v0  }
0x7c: {  	[tilespmem:s21+$0xC00] =	vst v0  }
0x7d: {  	[tilespmem:s21+$0xC10] =	vst v0  }
0x7e: {  	[tilespmem:s21+$0xC20] =	vst v0  }
0x7f: {  	[tilespmem:s21+$0xC30] =	vst v0  }
0x80: {  	s23 =	simm.s32 $0x200;
	s22 =	simm.s32 $0x80;
	[tilespmem:s21+$0xC40] =	vst v0  }
0x81: {  	s24 =	sand.u32 $0x7000, s23;
	s23 =	simm.s32 $0x400;
	s25 =	sand.u32 $0x380, s22;
	[tilespmem:s21+$0xC50] =	vst v0  }
.LBB2_2:
0x82: {  	p0 =	sne.s32 s23, $0x7E00;
	[tilespmem:s21+$0xC60] =	vst v0;
	s21 =	sor.u32 s25, s24  }
0x83: {  	[tilespmem:s21+$0xC70] =	vst v0  }
0x84: {  	[tilespmem:s21+$0x0] =	vst v0  }
0x85: {  	[tilespmem:s21+$0x10] =	vst v0  }
0x86: {  	[tilespmem:s21+$0x20] =	vst v0  }
0x87: {  	[tilespmem:s21+$0x30] =	vst v0  }
0x88: {  	[tilespmem:s21+$0x40] =	vst v0  }
0x89: {  	[tilespmem:s21+$0x50] =	vst v0  }
0x8a: {  	[tilespmem:s21+$0x60] =	vst v0  }
0x8b: {  	[tilespmem:s21+$0x70] =	vst v0  }
0x8c: {  	[tilespmem:s21+$0x400] =	vst v0  }
0x8d: {  	[tilespmem:s21+$0x410] =	vst v0  }
0x8e: {  	[tilespmem:s21+$0x420] =	vst v0  }
0x8f: {  	[tilespmem:s21+$0x430] =	vst v0  }
0x90: {  	[tilespmem:s21+$0x440] =	vst v0  }
0x91: {  	[tilespmem:s21+$0x450] =	vst v0  }
0x92: {  	[tilespmem:s21+$0x460] =	vst v0  }
0x93: {  	[tilespmem:s21+$0x470] =	vst v0  }
0x94: {  	[tilespmem:s21+$0x800] =	vst v0  }
0x95: {  	[tilespmem:s21+$0x810] =	vst v0  }
0x96: {  	[tilespmem:s21+$0x820] =	vst v0  }
0x97: {  	[tilespmem:s21+$0x830] =	vst v0  }
0x98: {  	[tilespmem:s21+$0x840] =	vst v0  }
0x99: {  	[tilespmem:s21+$0x850] =	vst v0  }
0x9a: {  	[tilespmem:s21+$0x860] =	vst v0  }
0x9b: {  	[tilespmem:s21+$0x870] =	vst v0  }
0x9c: {  	[tilespmem:s21+$0xC00] =	vst v0  }
.Ltmp0:
0x9d: {  	[tilespmem:s21+$0xC10] =	vst v0;
	(pc) =	sbr.rel @p0 .LBB2_2-.Ltmp0, $4  }
0x9e: {  	[tilespmem:s21+$0xC20] =	vst v0  }
0x9f: {  	[tilespmem:s21+$0xC30] =	vst v0  }
0xa0: {  	s22 =	sadd.s32 $0x80, s22;
	[tilespmem:s21+$0xC40] =	vst v0  }
0xa1: {  	s24 =	sand.u32 $0x7000, s23;
	s23 =	sadd.s32 $0x200, s23;
	s25 =	sand.u32 $0x380, s22;
	[tilespmem:s21+$0xC50] =	vst v0  }
0xa2: {  	s22 =	sor.u32 s25, s24;
	[tilespmem:s21+$0xC60] =	vst v0  }
0xa3: {  	[tilespmem:s22+$0xC70] =	vst v0  }
0xa4: {  	[tilespmem:s22+$0x0] =	vst v0  }
0xa5: {  	[tilespmem:s22+$0x10] =	vst v0  }
0xa6: {  	[tilespmem:s22+$0x20] =	vst v0  }
0xa7: {  	[tilespmem:s22+$0x30] =	vst v0  }
0xa8: {  	[tilespmem:s22+$0x40] =	vst v0  }
0xa9: {  	[tilespmem:s22+$0x50] =	vst v0  }
0xaa: {  	[tilespmem:s22+$0x60] =	vst v0  }
0xab: {  	[tilespmem:s22+$0x70] =	vst v0  }
0xac: {  	[tilespmem:s22+$0x400] =	vst v0  }
0xad: {  	[tilespmem:s22+$0x410] =	vst v0  }
0xae: {  	[tilespmem:s22+$0x420] =	vst v0  }
0xaf: {  	[tilespmem:s22+$0x430] =	vst v0  }
0xb0: {  	[tilespmem:s22+$0x440] =	vst v0  }
0xb1: {  	[tilespmem:s22+$0x450] =	vst v0  }
0xb2: {  	[tilespmem:s22+$0x460] =	vst v0  }
0xb3: {  	[tilespmem:s22+$0x470] =	vst v0  }
0xb4: {  	[tilespmem:s22+$0x800] =	vst v0  }
0xb5: {  	[tilespmem:s22+$0x810] =	vst v0  }
0xb6: {  	[tilespmem:s22+$0x820] =	vst v0  }
0xb7: {  	[tilespmem:s22+$0x830] =	vst v0  }
0xb8: {  	[tilespmem:s22+$0x840] =	vst v0  }
0xb9: {  	[tilespmem:s22+$0x850] =	vst v0  }
0xba: {  	[tilespmem:s22+$0x860] =	vst v0  }
0xbb: {  	[tilespmem:s22+$0x870] =	vst v0  }
0xbc: {  	[tilespmem:s22+$0xC00] =	vst v0  }
0xbd: {  	[tilespmem:s22+$0xC10] =	vst v0  }
0xbe: {  	[tilespmem:s22+$0xC20] =	vst v0  }
0xbf: {  	[tilespmem:s22+$0xC30] =	vst v0  }
0xc0: {  	[tilespmem:s22+$0xC40] =	vst v0  }
0xc1: {  	[tilespmem:s22+$0xC50] =	vst v0  }
0xc2: {  	[tilespmem:s22+$0xC60] =	vst v0  }
0xc3: {  	[hbm4b:s4+s2] =	stream.linear.scatter [tilespmem:s2], [sflag:$0x1], $0x8000, $0x38;
	[tilespmem:$0x8000] =	vst v63  }
0xc4: {  	_ = 	snop  }
0xc5: {  	[hbm4b:s5+s2] =	stream.linear.scatter [tilespmem:s2], [sflag:$0x1], $0x8000, $0x38;
	[tilespmem:$0x8000] =	vst v63  }
0xc6: {  	_ = 	snop  }
0xc7: {  	[hbm4b:s6+s2] =	stream.linear.scatter [tilespmem:s2], [sflag:$0x1], $0x8000, $0x38;
	[tilespmem:$0x8000] =	vst v63  }
0xc8: {  	_ = 	snop  }
0xc9: {  	[hbm4b:s7+s2] =	stream.linear.scatter [tilespmem:s2], [sflag:$0x1], $0x8000, $0x38;
	[tilespmem:$0x8000] =	vst v63  }
0xca: {  	_ = 	snop  }
0xcb: {  	[hbm4b:s8+s2] =	stream.linear.scatter [tilespmem:s2], [sflag:$0x1], $0x8000, $0x38;
	[tilespmem:$0x8000] =	vst v63  }
0xcc: {  	_ = 	snop  }
0xcd: {  	[hbm4b:s9+s2] =	stream.linear.scatter [tilespmem:s2], [sflag:$0x1], $0x8000, $0x38;
	[tilespmem:$0x8000] =	vst v63  }
0xce: {  	_ = 	snop  }
0xcf: {  	[hbm4b:s10+s2] =	stream.linear.scatter [tilespmem:s2], [sflag:$0x1], $0x8000, $0x38;
	[tilespmem:$0x8000] =	vst v63  }
0xd0: {  	_ = 	snop  }
0xd1: {  	[hbm4b:s11+s2] =	stream.linear.scatter [tilespmem:s2], [sflag:$0x1], $0x8000, $0x38;
	[tilespmem:$0x8000] =	vst v63  }
0xd2: {  	_ = 	snop  }
0xd3: {  	[hbm4b:s12+s2] =	stream.linear.scatter [tilespmem:s2], [sflag:$0x1], $0x8000, $0x38;
	[tilespmem:$0x8000] =	vst v63  }
0xd4: {  	_ = 	snop  }
0xd5: {  	[hbm4b:s13+s2] =	stream.linear.scatter [tilespmem:s2], [sflag:$0x1], $0x8000, $0x38;
	[tilespmem:$0x8000] =	vst v63  }
0xd6: {  	_ = 	snop  }
0xd7: {  	[hbm4b:s14+s2] =	stream.linear.scatter [tilespmem:s2], [sflag:$0x1], $0x8000, $0x38;
	[tilespmem:$0x8000] =	vst v63  }
0xd8: {  	_ = 	snop  }
0xd9: {  	[hbm4b:s15+s2] =	stream.linear.scatter [tilespmem:s2], [sflag:$0x1], $0x8000, $0x38;
	[tilespmem:$0x8000] =	vst v63  }
0xda: {  	_ = 	snop  }
0xdb: {  	[hbm4b:s16+s2] =	stream.linear.scatter [tilespmem:s2], [sflag:$0x1], $0x8000, $0x38;
	[tilespmem:$0x8000] =	vst v63  }
0xdc: {  	_ = 	snop  }
0xdd: {  	[hbm4b:s17+s2] =	stream.linear.scatter [tilespmem:s2], [sflag:$0x1], $0x8000, $0x38;
	[tilespmem:$0x8000] =	vst v63  }
0xde: {  	_ = 	snop  }
0xdf: {  	[hbm4b:s18+s2] =	stream.linear.scatter [tilespmem:s2], [sflag:$0x1], $0x8000, $0x38;
	[tilespmem:$0x8000] =	vst v63  }
0xe0: {  	_ =	swait.ge [sflag:s19], $0x8000  }
0xe1: {  	[sflag:s19] =	ssyncset.done $0x0  }
0xe2: {  	[sflag:s19] =	ssyncadd.s32 $0xFFFF8000  }
0xe3: {  	_ =	swait.ge [sflag:s19], $0x8000  }
0xe4: {  	[sflag:s19] =	ssyncset.done $0x0  }
0xe5: {  	[sflag:s19] =	ssyncadd.s32 $0xFFFF8000  }
0xe6: {  	_ =	swait.ge [sflag:s19], $0x8000  }
0xe7: {  	[sflag:s19] =	ssyncset.done $0x0  }
0xe8: {  	[sflag:s19] =	ssyncadd.s32 $0xFFFF8000  }
0xe9: {  	_ =	swait.ge [sflag:s19], $0x8000  }
0xea: {  	[sflag:s19] =	ssyncset.done $0x0  }
0xeb: {  	[sflag:s19] =	ssyncadd.s32 $0xFFFF8000  }
0xec: {  	_ =	swait.ge [sflag:s19], $0x8000  }
0xed: {  	[sflag:s19] =	ssyncset.done $0x0  }
0xee: {  	[sflag:s19] =	ssyncadd.s32 $0xFFFF8000  }
0xef: {  	_ =	swait.ge [sflag:s19], $0x8000  }
0xf0: {  	[sflag:s19] =	ssyncset.done $0x0  }
0xf1: {  	[sflag:s19] =	ssyncadd.s32 $0xFFFF8000  }
0xf2: {  	_ =	swait.ge [sflag:s19], $0x8000  }
0xf3: {  	[sflag:s19] =	ssyncset.done $0x0  }
0xf4: {  	[sflag:s19] =	ssyncadd.s32 $0xFFFF8000  }
0xf5: {  	_ =	swait.ge [sflag:s19], $0x8000  }
0xf6: {  	[sflag:s19] =	ssyncset.done $0x0  }
0xf7: {  	[sflag:s19] =	ssyncadd.s32 $0xFFFF8000  }
0xf8: {  	_ =	swait.ge [sflag:s19], $0x8000  }
0xf9: {  	[sflag:s19] =	ssyncset.done $0x0  }
0xfa: {  	[sflag:s19] =	ssyncadd.s32 $0xFFFF8000  }
0xfb: {  	_ =	swait.ge [sflag:s19], $0x8000  }
0xfc: {  	[sflag:s19] =	ssyncset.done $0x0  }
0xfd: {  	[sflag:s19] =	ssyncadd.s32 $0xFFFF8000  }
0xfe: {  	_ =	swait.ge [sflag:s19], $0x8000  }
0xff: {  	[sflag:s19] =	ssyncset.done $0x0  }
0x100: {  	[sflag:s19] =	ssyncadd.s32 $0xFFFF8000  }
0x101: {  	_ =	swait.ge [sflag:s19], $0x8000  }
0x102: {  	[sflag:s19] =	ssyncset.done $0x0  }
0x103: {  	[sflag:s19] =	ssyncadd.s32 $0xFFFF8000  }
0x104: {  	_ =	swait.ge [sflag:s19], $0x8000  }
0x105: {  	[sflag:s19] =	ssyncset.done $0x0  }
0x106: {  	s20 =	sadd.s32 $0x1, s20;
	[sflag:s19] =	ssyncadd.s32 $0xFFFF8000  }
0x107: {  	p0 =	sne.s32 s20, s3;
	_ =	swait.ge [sflag:s19], $0x8000  }
.Ltmp1:
0x108: {  	[sflag:s19] =	ssyncset.done $0x0;
	(pc) =	sbr.rel @p0 .LBB2_1-.Ltmp1, $4  }
0x109: {  	[sflag:s19] =	ssyncadd.s32 $0xFFFF8000  }
0x10a: {  	_ =	swait.ge [sflag:s19], $0x8000  }
0x10b: {  	[sflag:s19] =	ssyncset.done $0x0  }
0x10c: {  	[sflag:s19] =	ssyncadd.s32 $0xFFFF8000  }
0x10d: {  	_ =	sfence.sel $0x180000  }
0x10e: {  	[bflag:$0x0] =	sbarrier.arrive $0xFFFF  }
0x10f: {  	p0 =	sne.s32 s0, $0x0;
	_ =	strace $0x90000047  }
0x110: {  	s0 =	sadd.s32 @!p0 $0x100000, s1;
	[bflag:$0x2] =	sbarrier.arrive $0xFFFF  }
0x111: {  	[sflag:s0] =	ssyncadd.tile.s32 @!p0 $0x1;
	_ =	shalt  }
.Lfunc_end2:
_tile_overlayer_lowered:
.L_overlay_start_2:
0x112: {  	(tag) =	ssettag $0x2  }
0x113: {  	s0 =	rddreg [dreg:$0x0];
	s2 =	stileid.u32  }
0x114: {  	s1 =	rddreg [dreg:$0x1];
	p0 =	sne.s32 s2, $0x0  }
0x115: {  	s3 =	rddreg [dreg:$0x2];
	[bflag:$0x3] =	sbarrier.arrive $0xFFFF;
	s2 =	simm.s32 @!p0 $0x1C02  }
0x116: {  	[timem:s3], [sflag:s2] =	dma.local @!p0 [hbm:s0], s1  }
0x117: {  	s0 =	simm.s32 @!p0 $0x2  }
0x118: {  	_ =	swait.ge @!p0 [sflag:s0], s1  }
0x119: {  	s1 =	ssub.s32 @!p0 $0x0, s1;
	[sflag:s0] =	ssyncset.done @!p0 $0x0  }
0x11a: {  	[sflag:s0] =	ssyncadd.s32 @!p0 s1  }
0x11b: {  	[bflag:$0x3] =	sbarrier.arrive $0xFFFF  }
0x11c: {  	_ =	shalt  }

</sc_bundles>
